<compile_context>
chip_gen: v7x
topology: tpu7x:2x2x1
jax: 0.10.2.dev20260603
libtpu: 0.0.44.dev20260713+nightly
codegen_flags: <defaults>
</compile_context>

<pallas_src>
import functools

import jax
import jax.numpy as jnp
from jax import lax
from jax.experimental import pallas as pl
from jax.experimental.pallas import tpu as pltpu
from jax.experimental.pallas import tpu_sc as plsc

B, N, DIMS = 4, 4096, 2
INPUT_UNITS = 64
UNITS = 128
K = 16
NEIGH = K + 1
LRELU_ALPHA = 0.2


TN_KNN = 512


def _knn_mlp0_kernel(pxc_ref, pyc_ref, pxr_ref, pyr_ref, feats_ref,
                     w0_ref, b0_ref, wsk_ref, bsk_ref,
                     idx_ref, y0_ref, skip_ref):
    xc = pxc_ref[0]
    yc = pyc_ref[0]
    xr = pxr_ref[0]
    yr = pyr_ref[0]
    dx = xc - xr
    dy = yc - yr
    d2 = dx * dx + dy * dy
    iota = jax.lax.broadcasted_iota(jnp.int32, (TN_KNN, N), 1)
    d2i = jax.lax.bitcast_convert_type(d2, jnp.int32)
    key = (d2i & jnp.int32(~0xFFF)) | iota
    cols = []
    for _ in range(NEIGH):
        m = jnp.min(key, axis=1, keepdims=True)
        key = jnp.where(key == m, jnp.int32(0x7FFFFFFF), key)
        cols.append(m & jnp.int32(0xFFF))
    idx_ref[0] = jnp.concatenate(cols, axis=1)
    f = feats_ref[0]
    y0_ref[0] = jnp.maximum(f @ w0_ref[...] + b0_ref[...], 0.0)
    skip_ref[0] = jnp.maximum(f @ wsk_ref[...] + bsk_ref[...], 0.0)


def _knn_mlp0(pc, feats, W0, b0, Wskip, bskip):
    pxc = pc[:, :, 0:1]
    pyc = pc[:, :, 1:2]
    pxr = pc[:, :, 0].reshape(B, 1, N)
    pyr = pc[:, :, 1].reshape(B, 1, N)
    G = N // TN_KNN
    return pl.pallas_call(
        _knn_mlp0_kernel,
        grid=(B, G),
        in_specs=[
            pl.BlockSpec((1, TN_KNN, 1), lambda b_, t: (b_, t, 0)),
            pl.BlockSpec((1, TN_KNN, 1), lambda b_, t: (b_, t, 0)),
            pl.BlockSpec((1, 1, N), lambda b_, t: (b_, 0, 0)),
            pl.BlockSpec((1, 1, N), lambda b_, t: (b_, 0, 0)),
            pl.BlockSpec((1, TN_KNN, INPUT_UNITS), lambda b_, t: (b_, t, 0)),
            pl.BlockSpec((INPUT_UNITS, UNITS // 4), lambda b_, t: (0, 0)),
            pl.BlockSpec((UNITS // 4,), lambda b_, t: (0,)),
            pl.BlockSpec((INPUT_UNITS, UNITS), lambda b_, t: (0, 0)),
            pl.BlockSpec((UNITS,), lambda b_, t: (0,)),
        ],
        out_specs=[
            pl.BlockSpec((1, TN_KNN, NEIGH), lambda b_, t: (b_, t, 0)),
            pl.BlockSpec((1, TN_KNN, UNITS // 4), lambda b_, t: (b_, t, 0)),
            pl.BlockSpec((1, TN_KNN, UNITS), lambda b_, t: (b_, t, 0)),
        ],
        out_shape=[
            jax.ShapeDtypeStruct((B, N, NEIGH), jnp.int32),
            jax.ShapeDtypeStruct((B, N, UNITS // 4), jnp.float32),
            jax.ShapeDtypeStruct((B, N, UNITS), jnp.float32),
        ],
    )(pxc, pyc, pxr, pyr, feats, W0, b0, Wskip, bskip)


def _gather_neighbours(x, n_idx):
    b, n, k = n_idx.shape
    def g(xx, ii):
        return xx[ii.reshape(-1)].reshape(n, k, xx.shape[-1])
    return jax.vmap(g)(x, n_idx)


def _m_lin_fit(pts):
    x = pts[..., 0]
    y = pts[..., 1]
    k = pts.shape[-2]
    sx = jnp.sum(x, -1)
    sy = jnp.sum(y, -1)
    num = k * jnp.sum(x * y, -1) - sx * sy
    den = k * jnp.sum(x * x, -1) - sx ** 2
    return (num / (den + 1e-8))[..., None, None]


def _pearson(pts):
    x = pts[..., 0]
    y = pts[..., 1]
    xm = x - x.mean(-1, keepdims=True)
    ym = y - y.mean(-1, keepdims=True)
    num = jnp.sum(xm * ym, -1)
    den = jnp.sqrt(jnp.sum(xm * xm, -1) * jnp.sum(ym * ym, -1)) + 1e-8
    return (num / den)[..., None, None]


def _locse(pc, feats, n_idx, W, b):
    n_points = _gather_neighbours(pc, n_idx)
    norms = jnp.sqrt(jnp.sum(n_points ** 2, axis=-1, keepdims=True) + 1e-12)
    rpbns = []
    for i in range(NEIGH):
        current = n_points[:, :, i:i + 1]
        diff = current - n_points
        rpbns.append(jnp.concatenate([diff, norms], axis=-1))
    rppe = jnp.concatenate([n_points] + rpbns, axis=-1)
    ggf = jnp.concatenate([_m_lin_fit(n_points), _pearson(n_points)], axis=-1)
    r = jax.nn.relu(jnp.einsum('bnkc,cd->bnkd', rppe, W) + b)
    n_feats = _gather_neighbours(feats, n_idx)
    return jnp.concatenate([n_feats, r], axis=-1), ggf


def _att_pool(n_feats, ggf, Ws, bs, Wf, bf):
    scores = jax.nn.softmax(jnp.einsum('bnkc,cd->bnkd', n_feats, Ws) + bs, axis=-1)
    attention = jnp.sum(n_feats * scores, axis=-2, keepdims=True)
    cat = jnp.concatenate([attention, ggf], axis=-1)
    out = jax.nn.relu(jnp.einsum('bnkc,cd->bnkd', cat, Wf) + bf)
    return out.reshape(out.shape[0], out.shape[1], -1)


M_IDX = B * NEIGH * N
NW_SC = 32
MPW = M_IDX // NW_SC
CH_SC = 128


def _sc_gather_pc_y0(idx, pcpad, t0):
    D0 = t0.shape[1]
    DP = pcpad.shape[1]
    mesh = plsc.VectorSubcoreMesh(core_axis_name="c", subcore_axis_name="s")

    @functools.partial(
        pl.kernel, mesh=mesh,
        compiler_params=pltpu.CompilerParams(use_tc_tiling_on_sc=False),
        out_type=[
            jax.ShapeDtypeStruct((M_IDX, DP), jnp.float32),
            jax.ShapeDtypeStruct((M_IDX, D0), jnp.float32),
        ],
        scratch_types=[
            pltpu.VMEM((MPW,), jnp.int32),
            pltpu.VMEM((CH_SC, DP), jnp.float32),
            pltpu.VMEM((CH_SC, D0), jnp.float32),
            pltpu.SemaphoreType.DMA,
        ],
    )
    def kb(idx_hbm, pc_hbm, t0_hbm, pcg_hbm, ny0_hbm,
           idx_v, prow_v, rows_v, sem):
        wid = lax.axis_index("s") * 2 + lax.axis_index("c")
        base = wid * MPW
        pltpu.sync_copy(idx_hbm.at[pl.ds(base, MPW)], idx_v)

        def body2(c, carry):
            cp1 = pltpu.async_copy(
                pc_hbm.at[idx_v.at[pl.ds(c * CH_SC, CH_SC)]], prow_v, sem)
            cp2 = pltpu.async_copy(
                t0_hbm.at[idx_v.at[pl.ds(c * CH_SC, CH_SC)]], rows_v, sem)
            cp1.wait()
            cp2.wait()
            pltpu.sync_copy(prow_v, pcg_hbm.at[pl.ds(base + c * CH_SC, CH_SC)])
            pltpu.sync_copy(rows_v, ny0_hbm.at[pl.ds(base + c * CH_SC, CH_SC)])
            return carry

        lax.fori_loop(0, MPW // CH_SC, body2, 0)

    return kb(idx, pcpad, t0)


def _sc_gather_rows(idx, t1):
    D1 = t1.shape[1]
    mesh = plsc.VectorSubcoreMesh(core_axis_name="c", subcore_axis_name="s")

    @functools.partial(
        pl.kernel, mesh=mesh,
        compiler_params=pltpu.CompilerParams(use_tc_tiling_on_sc=False),
        out_type=jax.ShapeDtypeStruct((M_IDX, D1), jnp.float32),
        scratch_types=[
            pltpu.VMEM((MPW,), jnp.int32),
            pltpu.VMEM((CH_SC, D1), jnp.float32),
            pltpu.SemaphoreType.DMA,
        ],
    )
    def kd(idx_hbm, t1_hbm, ny1_hbm, idx_v, rows_v, sem):
        wid = lax.axis_index("s") * 2 + lax.axis_index("c")
        base = wid * MPW
        pltpu.sync_copy(idx_hbm.at[pl.ds(base, MPW)], idx_v)

        def body2(c, carry):
            pltpu.async_copy(t1_hbm.at[idx_v.at[pl.ds(c * CH_SC, CH_SC)]],
                             rows_v, sem).wait()
            pltpu.sync_copy(rows_v, ny1_hbm.at[pl.ds(base + c * CH_SC, CH_SC)])
            return carry

        lax.fori_loop(0, MPW // CH_SC, body2, 0)

    return kd(idx, t1)


TN_L = 512


def _split_locse_w(Wl):
    Ax = Wl[2::3]
    Ay = Wl[3::3]
    Cn = Wl[4::3]
    csum = jnp.sum(Cn, axis=0)
    wdx = Wl[0] - jnp.sum(Ax, axis=0)
    wdy = Wl[1] - jnp.sum(Ay, axis=0)
    return Ax, Ay, csum, wdx, wdy


def _ggf(Xn, Yn):
    k = float(NEIGH)
    sx = jnp.sum(Xn, 1, keepdims=True)
    sy = jnp.sum(Yn, 1, keepdims=True)
    sxy = jnp.sum(Xn * Yn, 1, keepdims=True)
    sxx = jnp.sum(Xn * Xn, 1, keepdims=True)
    mlin = (k * sxy - sx * sy) / (k * sxx - sx * sx + 1e-8)
    xm = Xn - sx / k
    ym = Yn - sy / k
    num = jnp.sum(xm * ym, 1, keepdims=True)
    den = jnp.sqrt(jnp.sum(xm * xm, 1, keepdims=True) *
                   jnp.sum(ym * ym, 1, keepdims=True)) + 1e-8
    return mlin, num / den


def _block_body(Xn, Yn, XT, YT, nyT, Ax, Ay, csum, wdx, wdy, bl, Ws, bs, Wf, bf):
    D = Ax.shape[1]
    base = Xn @ Ax + Yn @ Ay + bl[None, :]
    normsT = jnp.sqrt(XT * XT + YT * YT + 1e-12)
    r = jnp.maximum(base[None, :, :]
                    + XT[:, :, None] * wdx[None, None, :]
                    + YT[:, :, None] * wdy[None, None, :]
                    + normsT[:, :, None] * csum[None, None, :], 0.0)
    nf = jnp.concatenate([nyT, r], axis=-1)
    tn = nf.shape[1]
    z = nf.reshape(NEIGH * tn, 2 * D) @ Ws + bs[None, :]
    z = z - jnp.max(z, axis=1, keepdims=True)
    e = jnp.exp(z)
    scores = (e / jnp.sum(e, axis=1, keepdims=True)).reshape(NEIGH, tn, 2 * D)
    att = jnp.sum(nf * scores, axis=0)
    mlin, pear = _ggf(Xn, Yn)
    cat = jnp.concatenate([att, mlin, pear], axis=1)
    return jnp.maximum(cat @ Wf + bf[None, :], 0.0)


def _att0_kernel(xn_ref, yn_ref, xt_ref, yt_ref, ny_ref,
                 ax_ref, ay_ref, cs_ref, wdx_ref, wdy_ref, bl_ref,
                 ws_ref, bs_ref, wf_ref, bf_ref, o_ref):
    o_ref[0] = _block_body(xn_ref[0], yn_ref[0], xt_ref[0], yt_ref[0],
                           ny_ref[0], ax_ref[...], ay_ref[...], cs_ref[...],
                           wdx_ref[...], wdy_ref[...], bl_ref[...],
                           ws_ref[...], bs_ref[...], wf_ref[...], bf_ref[...])


def _att1_kernel(xn_ref, yn_ref, xt_ref, yt_ref, ny_ref,
                 ax_ref, ay_ref, cs_ref, wdx_ref, wdy_ref, bl_ref,
                 ws_ref, bs_ref, wf_ref, bf_ref,
                 w1_ref, b1_ref, skip_ref, o_ref):
    y2 = _block_body(xn_ref[0], yn_ref[0], xt_ref[0], yt_ref[0],
                     ny_ref[0], ax_ref[...], ay_ref[...], cs_ref[...],
                     wdx_ref[...], wdy_ref[...], bl_ref[...],
                     ws_ref[...], bs_ref[...], wf_ref[...], bf_ref[...])
    y3 = jnp.maximum(y2 @ w1_ref[...] + b1_ref[...], 0.0)
    z = y3 + skip_ref[0]
    o_ref[0] = jnp.where(z >= 0, z, LRELU_ALPHA * z)


def _wspecs(D):
    return [
        pl.BlockSpec((NEIGH, D), lambda b_, t: (0, 0)),
        pl.BlockSpec((NEIGH, D), lambda b_, t: (0, 0)),
        pl.BlockSpec((D,), lambda b_, t: (0,)),
        pl.BlockSpec((D,), lambda b_, t: (0,)),
        pl.BlockSpec((D,), lambda b_, t: (0,)),
        pl.BlockSpec((D,), lambda b_, t: (0,)),
        pl.BlockSpec((2 * D, 2 * D), lambda b_, t: (0, 0)),
        pl.BlockSpec((2 * D,), lambda b_, t: (0,)),
        pl.BlockSpec((2 * D + 2, 2 * D), lambda b_, t: (0, 0)),
        pl.BlockSpec((2 * D,), lambda b_, t: (0,)),
    ]


def _pt_specs(TN):
    return [
        pl.BlockSpec((1, TN, NEIGH), lambda b_, t: (b_, t, 0)),
        pl.BlockSpec((1, TN, NEIGH), lambda b_, t: (b_, t, 0)),
        pl.BlockSpec((1, NEIGH, TN), lambda b_, t: (b_, 0, t)),
        pl.BlockSpec((1, NEIGH, TN), lambda b_, t: (b_, 0, t)),
    ]


def _att_layer0(Xn, Yn, XT, YT, nyT, Wl0, bl0, Ws0, bs0, Wf0, bf0):
    D = UNITS // 4
    Ax, Ay, csum, wdx, wdy = _split_locse_w(Wl0)
    TN = TN_L
    return pl.pallas_call(
        _att0_kernel,
        grid=(B, N // TN),
        in_specs=_pt_specs(TN) + [
            pl.BlockSpec((1, NEIGH, TN, D), lambda b_, t: (b_, 0, t, 0)),
        ] + _wspecs(D),
        out_specs=pl.BlockSpec((1, TN, 2 * D), lambda b_, t: (b_, t, 0)),
        out_shape=jax.ShapeDtypeStruct((B, N, 2 * D), jnp.float32),
    )(Xn, Yn, XT, YT, nyT, Ax, Ay, csum, wdx, wdy, bl0, Ws0, bs0, Wf0, bf0)


def _att_layer1(Xn, Yn, XT, YT, nyT, Wl1, bl1, Ws1, bs1, Wf1, bf1, W1, b1, skip):
    D = UNITS // 2
    Ax, Ay, csum, wdx, wdy = _split_locse_w(Wl1)
    TN = TN_L
    return pl.pallas_call(
        _att1_kernel,
        grid=(B, N // TN),
        in_specs=_pt_specs(TN) + [
            pl.BlockSpec((1, NEIGH, TN, D), lambda b_, t: (b_, 0, t, 0)),
        ] + _wspecs(D) + [
            pl.BlockSpec((UNITS, UNITS), lambda b_, t: (0, 0)),
            pl.BlockSpec((UNITS,), lambda b_, t: (0,)),
            pl.BlockSpec((1, TN, UNITS), lambda b_, t: (b_, t, 0)),
        ],
        out_specs=pl.BlockSpec((1, TN, UNITS), lambda b_, t: (b_, t, 0)),
        out_shape=jax.ShapeDtypeStruct((B, N, UNITS), jnp.float32),
    )(Xn, Yn, XT, YT, nyT, Ax, Ay, csum, wdx, wdy, bl1, Ws1, bs1, Wf1, bf1,
      W1, b1, skip)


def _final_pallas(y, skip):
    TN = 512
    return pl.pallas_call(
        _final2_kernel,
        grid=(B, N // TN),
        in_specs=[
            pl.BlockSpec((1, TN, UNITS), lambda b_, n_: (b_, n_, 0)),
            pl.BlockSpec((1, TN, UNITS), lambda b_, n_: (b_, n_, 0)),
        ],
        out_specs=pl.BlockSpec((1, TN, UNITS), lambda b_, n_: (b_, n_, 0)),
        out_shape=jax.ShapeDtypeStruct((B, N, UNITS), jnp.float32),
    )(y, skip)


def kernel(pc, feats, W0, b0, Wl0, bl0, Ws0, bs0, Wf0, bf0, Wl1, bl1, Ws1, bs1, Wf1, bf1, W1, b1, Wskip, bskip):
    n_idx, y0, skip = _knn_mlp0(pc, feats, W0, b0, Wskip, bskip)
    idxg = n_idx + (jnp.arange(B, dtype=jnp.int32) * N)[:, None, None]
    idxT = idxg.transpose(0, 2, 1).reshape(-1)
    pcpad = jnp.pad(pc.reshape(B * N, DIMS), ((0, 0), (0, 14)))
    pcg, ny0 = _sc_gather_pc_y0(idxT, pcpad, y0.reshape(B * N, UNITS // 4))
    XT = pcg[:, 0].reshape(B, NEIGH, N)
    YT = pcg[:, 1].reshape(B, NEIGH, N)
    Xn = XT.transpose(0, 2, 1)
    Yn = YT.transpose(0, 2, 1)
    nyT0 = ny0.reshape(B, NEIGH, N, UNITS // 4)
    y1 = _att_layer0(Xn, Yn, XT, YT, nyT0, Wl0, bl0, Ws0, bs0, Wf0, bf0)
    ny1 = _sc_gather_rows(idxT, y1.reshape(B * N, UNITS // 2))
    nyT1 = ny1.reshape(B, NEIGH, N, UNITS // 2)
    return _att_layer1(Xn, Yn, XT, YT, nyT1, Wl1, bl1, Ws1, bs1, Wf1, bf1,
                       W1, b1, skip)

# --- scband reference (transcript-rebuilt; emitter-appended) ---
"""Pipeline reference for scband-dilated-res-block-34608846471729 (READ-ONLY COPY).

The authoritative reference and input builder live on the scoring server;
editing this copy changes nothing except your own understanding.
"""

import jax, jax.numpy as jnp
import numpy as np

B, N, DIMS = 4, 4096, 2
INPUT_UNITS = 64
UNITS = 128
K = 16
NEIGH = K + 1
CH_DIMS = (DIMS + 1) * NEIGH + DIMS
LRELU_ALPHA = 0.2


def knn_idx(pc, k):
    d2 = jnp.sum((pc[:, :, None, :] - pc[:, None, :, :]) ** 2, axis=-1)
    _, idx = jax.lax.top_k(-d2, k)
    return idx


def gather_neighbours(x, n_idx):
    b, n, k = n_idx.shape
    def g(xx, ii):
        return xx[ii.reshape(-1)].reshape(n, k, xx.shape[-1])
    return jax.vmap(g)(x, n_idx)


def m_lin_fit(pts):
    x = pts[..., 0]
    y = pts[..., 1]
    k = pts.shape[-2]
    sx = jnp.sum(x, -1)
    sy = jnp.sum(y, -1)
    num = k * jnp.sum(x * y, -1) - sx * sy
    den = k * jnp.sum(x * x, -1) - sx ** 2
    return (num / (den + 1e-8))[..., None, None]


def pearson_distance(pts):
    x = pts[..., 0]
    y = pts[..., 1]
    xm = x - x.mean(-1, keepdims=True)
    ym = y - y.mean(-1, keepdims=True)
    num = jnp.sum(xm * ym, -1)
    den = jnp.sqrt(jnp.sum(xm * xm, -1) * jnp.sum(ym * ym, -1)) + 1e-8
    return (num / den)[..., None, None]


def locse(pc, feats, n_idx, W, b):
    n_points = gather_neighbours(pc, n_idx)
    norms = jnp.sqrt(jnp.sum(n_points ** 2, axis=-1, keepdims=True) + 1e-12)
    rpbns = []
    for i in range(NEIGH):
        current = n_points[:, :, i:i + 1]
        diff = current - n_points
        rpbns.append(jnp.concatenate([diff, norms], axis=-1))
    rppe = jnp.concatenate([n_points] + rpbns, axis=-1)
    ggf = jnp.concatenate([m_lin_fit(n_points), pearson_distance(n_points)], axis=-1)
    r = jax.nn.relu(jnp.einsum('bnkc,cd->bnkd', rppe, W) + b)
    n_feats = gather_neighbours(feats, n_idx)
    return jnp.concatenate([n_feats, r], axis=-1), ggf


def att_pool(n_feats, ggf, Ws, bs, Wf, bf):
    scores = jax.nn.softmax(jnp.einsum('bnkc,cd->bnkd', n_feats, Ws) + bs, axis=-1)
    attention = jnp.sum(n_feats * scores, axis=-2, keepdims=True)
    cat = jnp.concatenate([attention, ggf], axis=-1)
    out = jax.nn.relu(jnp.einsum('bnkc,cd->bnkd', cat, Wf) + bf)
    return out.reshape(out.shape[0], out.shape[1], -1)


def setup_inputs(seed: int = 0):
    key = jax.random.key(seed)
    ks = jax.random.split(key, 16)
    s = 0.05
    return {
        'pc': jax.random.normal(ks[0], (B, N, DIMS), jnp.float32),
        'feats': jax.random.normal(ks[1], (B, N, INPUT_UNITS), jnp.float32),
        'W0': jax.random.normal(ks[2], (INPUT_UNITS, UNITS // 4), jnp.float32) * s,
        'b0': jnp.zeros((UNITS // 4,), jnp.float32),
        'Wl0': jax.random.normal(ks[3], (CH_DIMS, UNITS // 4), jnp.float32) * s,
        'bl0': jnp.zeros((UNITS // 4,), jnp.float32),
        'Ws0': jax.random.normal(ks[4], (UNITS // 2, UNITS // 2), jnp.float32) * s,
        'bs0': jnp.zeros((UNITS // 2,), jnp.float32),
        'Wf0': jax.random.normal(ks[5], (UNITS // 2 + 2, UNITS // 2), jnp.float32) * s,
        'bf0': jnp.zeros((UNITS // 2,), jnp.float32),
        'Wl1': jax.random.normal(ks[6], (CH_DIMS, UNITS // 2), jnp.float32) * s,
        'bl1': jnp.zeros((UNITS // 2,), jnp.float32),
        'Ws1': jax.random.normal(ks[7], (UNITS, UNITS), jnp.float32) * s,
        'bs1': jnp.zeros((UNITS,), jnp.float32),
        'Wf1': jax.random.normal(ks[8], (UNITS + 2, UNITS), jnp.float32) * s,
        'bf1': jnp.zeros((UNITS,), jnp.float32),
        'W1': jax.random.normal(ks[9], (UNITS, UNITS), jnp.float32) * s,
        'b1': jnp.zeros((UNITS,), jnp.float32),
        'Wskip': jax.random.normal(ks[10], (INPUT_UNITS, UNITS), jnp.float32) * s,
        'bskip': jnp.zeros((UNITS,), jnp.float32),
    }


def reference(pc, feats, W0, b0, Wl0, bl0, Ws0, bs0, Wf0, bf0, Wl1, bl1, Ws1, bs1, Wf1, bf1, W1, b1, Wskip, bskip):
    # knn indices (py_function in TF, no gradient)
    n_idx = knn_idx(jax.lax.stop_gradient(pc), NEIGH)
    # MLP_0
    y = jax.nn.relu(feats @ W0 + b0)
    # locse_0 + att_0
    nf0, ggf0 = locse(pc, y, n_idx, Wl0, bl0)
    y = att_pool(nf0, ggf0, Ws0, bs0, Wf0, bf0)
    # locse_1 + att_1 (cached knn reused)
    nf1, ggf1 = locse(pc, y, n_idx, Wl1, bl1)
    y = att_pool(nf1, ggf1, Ws1, bs1, Wf1, bf1)
    # MLP_1 + skip + leaky relu
    y = jax.nn.relu(y @ W1 + b1)
    skip = jax.nn.relu(feats @ Wskip + bskip)
    return jax.nn.leaky_relu(y + skip, negative_slope=LRELU_ALPHA)

if __name__ == "__main__":
    import jax
    _d = setup_inputs()
    print(jax.jit(kernel)(*tuple(_d.values())))

</pallas_src>

<mosaic_0001>
#map = affine_map<(d0, d1) -> (0)>
#map1 = affine_map<(d0, d1) -> (0, 0)>
module attributes {stable_mosaic.version = 14 : i64} {
  func.func @kb(%arg0: i32, %arg1: i32, %arg2: memref<278528xi32, #tpu.memory_space<hbm>>, %arg3: memref<16384x16xf32, #tpu.memory_space<hbm>>, %arg4: memref<16384x32xf32, #tpu.memory_space<hbm>>, %arg5: memref<278528x16xf32, #tpu.memory_space<hbm>>, %arg6: memref<278528x32xf32, #tpu.memory_space<hbm>>, %arg7: memref<8704xi32, #tpu.memory_space<vmem>>, %arg8: memref<128x16xf32, #tpu.memory_space<vmem>>, %arg9: memref<128x32xf32, #tpu.memory_space<vmem>>, %arg10: memref<!tpu.dma_semaphore, #tpu.memory_space<semaphore_mem>>) attributes {dimension_semantics = [#tpu.dimension_semantics<core_parallel>, #tpu.dimension_semantics<subcore_parallel>], iteration_bounds = array<i64: 2, 16>, scalar_prefetch = 0 : i64, scratch_operands = 4 : i64, tpu.core_type = #tpu.core_type<sc_vector_subcore>, window_params = [{transform_indices = #map}, {transform_indices = #map1}, {transform_indices = #map1}, {transform_indices = #map1}, {transform_indices = #map1}]} {
    %mul3A = arith.constant 2 : i32
    %mul3A_0 = arith.muli %arg1, %mul3A : i32
    %add3A = arith.addi %mul3A_0, %arg0 : i32
    %mul3A_1 = arith.constant 8704 : i32
    %mul3A_2 = arith.muli %add3A, %mul3A_1 : i32
    "tpu.region"() ({
      %run_scoped3A = tpu.sem_alloc : memref<!tpu.dma_semaphore, #tpu.memory_space<semaphore_mem>>
      %dma_start3A = tpu.memref_slice %arg2[%mul3A_2] : memref<278528xi32, #tpu.memory_space<hbm>> -> memref<8704xi32, #tpu.memory_space<hbm>>
      %dma_start3A_8 = tpu.memref_slice %arg2[%mul3A_2] : memref<278528xi32, #tpu.memory_space<hbm>> -> memref<8704xi32, #tpu.memory_space<hbm>>
      tpu.enqueue_dma source(%dma_start3A_8 : memref<8704xi32, #tpu.memory_space<hbm>>) target(%arg7 : memref<8704xi32, #tpu.memory_space<vmem>>) target_semaphore(%run_scoped3A : memref<!tpu.dma_semaphore, #tpu.memory_space<semaphore_mem>>)
      %dma_wait3A = tpu.memref_slice %arg2[%mul3A_2] : memref<278528xi32, #tpu.memory_space<hbm>> -> memref<8704xi32, #tpu.memory_space<hbm>>
      %dma_wait3A_9 = tpu.memref_slice %arg2[%mul3A_2] : memref<278528xi32, #tpu.memory_space<hbm>> -> memref<8704xi32, #tpu.memory_space<hbm>>
      tpu.wait_dma2 semaphore(%run_scoped3A : memref<!tpu.dma_semaphore, #tpu.memory_space<semaphore_mem>>) src(%dma_wait3A_9 : memref<8704xi32, #tpu.memory_space<hbm>>) dst(%arg7 : memref<8704xi32, #tpu.memory_space<vmem>>)
      tpu.yield
    }) : () -> ()
    %scan3A = arith.constant 0 : i32
    %scan3A_3 = arith.constant 0 : i32
    %scan3A_4 = arith.constant 68 : i32
    %scan3A_5 = arith.addi %scan3A_3, %scan3A_4 : i32
    %scan3A_6 = arith.constant 1 : i32
    scf.for %scan3A_8 = %scan3A_3 to %scan3A_5 step %scan3A_6  : i32 {
      %mul3A_9 = arith.constant 128 : i32
      %mul3A_10 = arith.muli %scan3A_8, %mul3A_9 : i32
      %dma_start3A = tpu.memref_slice %arg7[%mul3A_10] : memref<8704xi32, #tpu.memory_space<vmem>> -> memref<128xi32, #tpu.memory_space<vmem>>
      %dma_start3A_11 = arith.constant 0 : i32
      %dma_start3A_12 = arith.constant 0 : i32
      %dma_start3A_13 = tpu.memref_slice %arg3[%dma_start3A_11, %dma_start3A_12] : memref<16384x16xf32, #tpu.memory_space<hbm>> -> memref<16384x16xf32, #tpu.memory_space<hbm>>
      tpu.enqueue_indirect_dma source(%dma_start3A_13 : memref<16384x16xf32, #tpu.memory_space<hbm>>) target(%arg8 : memref<128x16xf32, #tpu.memory_space<vmem>>) offsets(%dma_start3A : memref<128xi32, #tpu.memory_space<vmem>>) semaphore(%arg10 : memref<!tpu.dma_semaphore, #tpu.memory_space<semaphore_mem>>)
      %mul3A_14 = arith.constant 128 : i32
      %mul3A_15 = arith.muli %scan3A_8, %mul3A_14 : i32
      %dma_start3A_16 = tpu.memref_slice %arg7[%mul3A_15] : memref<8704xi32, #tpu.memory_space<vmem>> -> memref<128xi32, #tpu.memory_space<vmem>>
      %dma_start3A_17 = arith.constant 0 : i32
      %dma_start3A_18 = arith.constant 0 : i32
      %dma_start3A_19 = tpu.memref_slice %arg4[%dma_start3A_17, %dma_start3A_18] : memref<16384x32xf32, #tpu.memory_space<hbm>> -> memref<16384x32xf32, #tpu.memory_space<hbm>>
      tpu.enqueue_indirect_dma source(%dma_start3A_19 : memref<16384x32xf32, #tpu.memory_space<hbm>>) target(%arg9 : memref<128x32xf32, #tpu.memory_space<vmem>>) offsets(%dma_start3A_16 : memref<128xi32, #tpu.memory_space<vmem>>) semaphore(%arg10 : memref<!tpu.dma_semaphore, #tpu.memory_space<semaphore_mem>>)
      %dma_wait3A = tpu.memref_slice %arg7[%mul3A_10] : memref<8704xi32, #tpu.memory_space<vmem>> -> memref<128xi32, #tpu.memory_space<vmem>>
      %dma_wait3A_20 = arith.constant 0 : i32
      %dma_wait3A_21 = arith.constant 0 : i32
      %dma_wait3A_22 = tpu.memref_slice %arg3[%dma_wait3A_20, %dma_wait3A_21] : memref<16384x16xf32, #tpu.memory_space<hbm>> -> memref<16384x16xf32, #tpu.memory_space<hbm>>
      tpu.wait_indirect_dma semaphore(%arg10 : memref<!tpu.dma_semaphore, #tpu.memory_space<semaphore_mem>>) src(%dma_wait3A_22 : memref<16384x16xf32, #tpu.memory_space<hbm>>) dst(%arg8 : memref<128x16xf32, #tpu.memory_space<vmem>>)
      %dma_wait3A_23 = tpu.memref_slice %arg7[%mul3A_15] : memref<8704xi32, #tpu.memory_space<vmem>> -> memref<128xi32, #tpu.memory_space<vmem>>
      %dma_wait3A_24 = arith.constant 0 : i32
      %dma_wait3A_25 = arith.constant 0 : i32
      %dma_wait3A_26 = tpu.memref_slice %arg4[%dma_wait3A_24, %dma_wait3A_25] : memref<16384x32xf32, #tpu.memory_space<hbm>> -> memref<16384x32xf32, #tpu.memory_space<hbm>>
      tpu.wait_indirect_dma semaphore(%arg10 : memref<!tpu.dma_semaphore, #tpu.memory_space<semaphore_mem>>) src(%dma_wait3A_26 : memref<16384x32xf32, #tpu.memory_space<hbm>>) dst(%arg9 : memref<128x32xf32, #tpu.memory_space<vmem>>)
      %mul3A_27 = arith.constant 128 : i32
      %mul3A_28 = arith.muli %scan3A_8, %mul3A_27 : i32
      %add3A_29 = arith.addi %mul3A_2, %mul3A_28 : i32
      "tpu.region"() ({
        %run_scoped3A = tpu.sem_alloc : memref<!tpu.dma_semaphore, #tpu.memory_space<semaphore_mem>>
        %dma_start3A_33 = arith.constant 0 : i32
        %dma_start3A_34 = tpu.memref_slice %arg5[%add3A_29, %dma_start3A_33] : memref<278528x16xf32, #tpu.memory_space<hbm>> -> memref<128x16xf32, #tpu.memory_space<hbm>>
        %dma_start3A_35 = arith.constant 0 : i32
        %dma_start3A_36 = tpu.memref_slice %arg5[%add3A_29, %dma_start3A_35] : memref<278528x16xf32, #tpu.memory_space<hbm>> -> memref<128x16xf32, #tpu.memory_space<hbm>>
        tpu.enqueue_dma source(%arg8 : memref<128x16xf32, #tpu.memory_space<vmem>>) target(%dma_start3A_36 : memref<128x16xf32, #tpu.memory_space<hbm>>) target_semaphore(%run_scoped3A : memref<!tpu.dma_semaphore, #tpu.memory_space<semaphore_mem>>)
        %dma_wait3A_37 = arith.constant 0 : i32
        %dma_wait3A_38 = tpu.memref_slice %arg5[%add3A_29, %dma_wait3A_37] : memref<278528x16xf32, #tpu.memory_space<hbm>> -> memref<128x16xf32, #tpu.memory_space<hbm>>
        %dma_wait3A_39 = arith.constant 0 : i32
        %dma_wait3A_40 = tpu.memref_slice %arg5[%add3A_29, %dma_wait3A_39] : memref<278528x16xf32, #tpu.memory_space<hbm>> -> memref<128x16xf32, #tpu.memory_space<hbm>>
        tpu.wait_dma2 semaphore(%run_scoped3A : memref<!tpu.dma_semaphore, #tpu.memory_space<semaphore_mem>>) src(%arg8 : memref<128x16xf32, #tpu.memory_space<vmem>>) dst(%dma_wait3A_40 : memref<128x16xf32, #tpu.memory_space<hbm>>)
        tpu.yield
      }) : () -> ()
      %mul3A_30 = arith.constant 128 : i32
      %mul3A_31 = arith.muli %scan3A_8, %mul3A_30 : i32
      %add3A_32 = arith.addi %mul3A_2, %mul3A_31 : i32
      "tpu.region"() ({
        %run_scoped3A = tpu.sem_alloc : memref<!tpu.dma_semaphore, #tpu.memory_space<semaphore_mem>>
        %dma_start3A_33 = arith.constant 0 : i32
        %dma_start3A_34 = tpu.memref_slice %arg6[%add3A_32, %dma_start3A_33] : memref<278528x32xf32, #tpu.memory_space<hbm>> -> memref<128x32xf32, #tpu.memory_space<hbm>>
        %dma_start3A_35 = arith.constant 0 : i32
        %dma_start3A_36 = tpu.memref_slice %arg6[%add3A_32, %dma_start3A_35] : memref<278528x32xf32, #tpu.memory_space<hbm>> -> memref<128x32xf32, #tpu.memory_space<hbm>>
        tpu.enqueue_dma source(%arg9 : memref<128x32xf32, #tpu.memory_space<vmem>>) target(%dma_start3A_36 : memref<128x32xf32, #tpu.memory_space<hbm>>) target_semaphore(%run_scoped3A : memref<!tpu.dma_semaphore, #tpu.memory_space<semaphore_mem>>)
        %dma_wait3A_37 = arith.constant 0 : i32
        %dma_wait3A_38 = tpu.memref_slice %arg6[%add3A_32, %dma_wait3A_37] : memref<278528x32xf32, #tpu.memory_space<hbm>> -> memref<128x32xf32, #tpu.memory_space<hbm>>
        %dma_wait3A_39 = arith.constant 0 : i32
        %dma_wait3A_40 = tpu.memref_slice %arg6[%add3A_32, %dma_wait3A_39] : memref<278528x32xf32, #tpu.memory_space<hbm>> -> memref<128x32xf32, #tpu.memory_space<hbm>>
        tpu.wait_dma2 semaphore(%run_scoped3A : memref<!tpu.dma_semaphore, #tpu.memory_space<semaphore_mem>>) src(%arg9 : memref<128x32xf32, #tpu.memory_space<vmem>>) dst(%dma_wait3A_40 : memref<128x32xf32, #tpu.memory_space<hbm>>)
        tpu.yield
      }) : () -> ()
    }
    %scan3A_7 = arith.constant 68 : i32
    return
  }
}

#map = affine_map<(d0, d1) -> (0)>
#map1 = affine_map<(d0, d1) -> (0, 0)>
module attributes {stable_mosaic.version = 14 : i64} {
  func.func @kd(%arg0: i32, %arg1: i32, %arg2: memref<278528xi32, #tpu.memory_space<hbm>>, %arg3: memref<16384x64xf32, #tpu.memory_space<hbm>>, %arg4: memref<278528x64xf32, #tpu.memory_space<hbm>>, %arg5: memref<8704xi32, #tpu.memory_space<vmem>>, %arg6: memref<128x64xf32, #tpu.memory_space<vmem>>, %arg7: memref<!tpu.dma_semaphore, #tpu.memory_space<semaphore_mem>>) attributes {dimension_semantics = [#tpu.dimension_semantics<core_parallel>, #tpu.dimension_semantics<subcore_parallel>], iteration_bounds = array<i64: 2, 16>, scalar_prefetch = 0 : i64, scratch_operands = 3 : i64, tpu.core_type = #tpu.core_type<sc_vector_subcore>, window_params = [{transform_indices = #map}, {transform_indices = #map1}, {transform_indices = #map1}]} {
    %mul3A = arith.constant 2 : i32
    %mul3A_0 = arith.muli %arg1, %mul3A : i32
    %add3A = arith.addi %mul3A_0, %arg0 : i32
    %mul3A_1 = arith.constant 8704 : i32
    %mul3A_2 = arith.muli %add3A, %mul3A_1 : i32
    "tpu.region"() ({
      %run_scoped3A = tpu.sem_alloc : memref<!tpu.dma_semaphore, #tpu.memory_space<semaphore_mem>>
      %dma_start3A = tpu.memref_slice %arg2[%mul3A_2] : memref<278528xi32, #tpu.memory_space<hbm>> -> memref<8704xi32, #tpu.memory_space<hbm>>
      %dma_start3A_8 = tpu.memref_slice %arg2[%mul3A_2] : memref<278528xi32, #tpu.memory_space<hbm>> -> memref<8704xi32, #tpu.memory_space<hbm>>
      tpu.enqueue_dma source(%dma_start3A_8 : memref<8704xi32, #tpu.memory_space<hbm>>) target(%arg5 : memref<8704xi32, #tpu.memory_space<vmem>>) target_semaphore(%run_scoped3A : memref<!tpu.dma_semaphore, #tpu.memory_space<semaphore_mem>>)
      %dma_wait3A = tpu.memref_slice %arg2[%mul3A_2] : memref<278528xi32, #tpu.memory_space<hbm>> -> memref<8704xi32, #tpu.memory_space<hbm>>
      %dma_wait3A_9 = tpu.memref_slice %arg2[%mul3A_2] : memref<278528xi32, #tpu.memory_space<hbm>> -> memref<8704xi32, #tpu.memory_space<hbm>>
      tpu.wait_dma2 semaphore(%run_scoped3A : memref<!tpu.dma_semaphore, #tpu.memory_space<semaphore_mem>>) src(%dma_wait3A_9 : memref<8704xi32, #tpu.memory_space<hbm>>) dst(%arg5 : memref<8704xi32, #tpu.memory_space<vmem>>)
      tpu.yield
    }) : () -> ()
    %scan3A = arith.constant 0 : i32
    %scan3A_3 = arith.constant 0 : i32
    %scan3A_4 = arith.constant 68 : i32
    %scan3A_5 = arith.addi %scan3A_3, %scan3A_4 : i32
    %scan3A_6 = arith.constant 1 : i32
    scf.for %scan3A_8 = %scan3A_3 to %scan3A_5 step %scan3A_6  : i32 {
      %mul3A_9 = arith.constant 128 : i32
      %mul3A_10 = arith.muli %scan3A_8, %mul3A_9 : i32
      %dma_start3A = tpu.memref_slice %arg5[%mul3A_10] : memref<8704xi32, #tpu.memory_space<vmem>> -> memref<128xi32, #tpu.memory_space<vmem>>
      %dma_start3A_11 = arith.constant 0 : i32
      %dma_start3A_12 = arith.constant 0 : i32
      %dma_start3A_13 = tpu.memref_slice %arg3[%dma_start3A_11, %dma_start3A_12] : memref<16384x64xf32, #tpu.memory_space<hbm>> -> memref<16384x64xf32, #tpu.memory_space<hbm>>
      tpu.enqueue_indirect_dma source(%dma_start3A_13 : memref<16384x64xf32, #tpu.memory_space<hbm>>) target(%arg6 : memref<128x64xf32, #tpu.memory_space<vmem>>) offsets(%dma_start3A : memref<128xi32, #tpu.memory_space<vmem>>) semaphore(%arg7 : memref<!tpu.dma_semaphore, #tpu.memory_space<semaphore_mem>>)
      %dma_wait3A = tpu.memref_slice %arg5[%mul3A_10] : memref<8704xi32, #tpu.memory_space<vmem>> -> memref<128xi32, #tpu.memory_space<vmem>>
      %dma_wait3A_14 = arith.constant 0 : i32
      %dma_wait3A_15 = arith.constant 0 : i32
      %dma_wait3A_16 = tpu.memref_slice %arg3[%dma_wait3A_14, %dma_wait3A_15] : memref<16384x64xf32, #tpu.memory_space<hbm>> -> memref<16384x64xf32, #tpu.memory_space<hbm>>
      tpu.wait_indirect_dma semaphore(%arg7 : memref<!tpu.dma_semaphore, #tpu.memory_space<semaphore_mem>>) src(%dma_wait3A_16 : memref<16384x64xf32, #tpu.memory_space<hbm>>) dst(%arg6 : memref<128x64xf32, #tpu.memory_space<vmem>>)
      %mul3A_17 = arith.constant 128 : i32
      %mul3A_18 = arith.muli %scan3A_8, %mul3A_17 : i32
      %add3A_19 = arith.addi %mul3A_2, %mul3A_18 : i32
      "tpu.region"() ({
        %run_scoped3A = tpu.sem_alloc : memref<!tpu.dma_semaphore, #tpu.memory_space<semaphore_mem>>
        %dma_start3A_20 = arith.constant 0 : i32
        %dma_start3A_21 = tpu.memref_slice %arg4[%add3A_19, %dma_start3A_20] : memref<278528x64xf32, #tpu.memory_space<hbm>> -> memref<128x64xf32, #tpu.memory_space<hbm>>
        %dma_start3A_22 = arith.constant 0 : i32
        %dma_start3A_23 = tpu.memref_slice %arg4[%add3A_19, %dma_start3A_22] : memref<278528x64xf32, #tpu.memory_space<hbm>> -> memref<128x64xf32, #tpu.memory_space<hbm>>
        tpu.enqueue_dma source(%arg6 : memref<128x64xf32, #tpu.memory_space<vmem>>) target(%dma_start3A_23 : memref<128x64xf32, #tpu.memory_space<hbm>>) target_semaphore(%run_scoped3A : memref<!tpu.dma_semaphore, #tpu.memory_space<semaphore_mem>>)
        %dma_wait3A_24 = arith.constant 0 : i32
        %dma_wait3A_25 = tpu.memref_slice %arg4[%add3A_19, %dma_wait3A_24] : memref<278528x64xf32, #tpu.memory_space<hbm>> -> memref<128x64xf32, #tpu.memory_space<hbm>>
        %dma_wait3A_26 = arith.constant 0 : i32
        %dma_wait3A_27 = tpu.memref_slice %arg4[%add3A_19, %dma_wait3A_26] : memref<278528x64xf32, #tpu.memory_space<hbm>> -> memref<128x64xf32, #tpu.memory_space<hbm>>
        tpu.wait_dma2 semaphore(%run_scoped3A : memref<!tpu.dma_semaphore, #tpu.memory_space<semaphore_mem>>) src(%arg6 : memref<128x64xf32, #tpu.memory_space<vmem>>) dst(%dma_wait3A_27 : memref<128x64xf32, #tpu.memory_space<hbm>>)
        tpu.yield
      }) : () -> ()
    }
    %scan3A_7 = arith.constant 68 : i32
    return
  }
}

module attributes {stable_mosaic.version = 14 : i64} {
  func.func @_knn_mlp0_kernel(%arg0: i32, %arg1: i32, %arg2: memref<1x512x1xf32, #tpu.memory_space<vmem>>, %arg3: memref<1x512x1xf32, #tpu.memory_space<vmem>>, %arg4: memref<1x1x4096xf32, #tpu.memory_space<vmem>>, %arg5: memref<1x1x4096xf32, #tpu.memory_space<vmem>>, %arg6: memref<1x512x64xf32, #tpu.memory_space<vmem>>, %arg7: memref<64x32xf32, #tpu.memory_space<vmem>>, %arg8: memref<32xf32, #tpu.memory_space<vmem>>, %arg9: memref<64x128xf32, #tpu.memory_space<vmem>>, %arg10: memref<128xf32, #tpu.memory_space<vmem>>, %arg11: memref<1x512x17xi32, #tpu.memory_space<vmem>>, %arg12: memref<1x512x32xf32, #tpu.memory_space<vmem>>, %arg13: memref<1x512x128xf32, #tpu.memory_space<vmem>>) attributes {dimension_semantics = [#tpu.dimension_semantics<arbitrary>, #tpu.dimension_semantics<arbitrary>], iteration_bounds = array<i64: 4, 8>, scalar_prefetch = 0 : i64, scratch_operands = 0 : i64, tpu.core_type = #tpu.core_type<tc>, window_params = [{transform_indices = @transform_0, window_bounds = array<i64: 1, 512, 1>}, {transform_indices = @transform_1, window_bounds = array<i64: 1, 512, 1>}, {transform_indices = @transform_2, window_bounds = array<i64: 1, 1, 4096>}, {transform_indices = @transform_3, window_bounds = array<i64: 1, 1, 4096>}, {transform_indices = @transform_4, window_bounds = array<i64: 1, 512, 64>}, {pipeline_mode = #tpu.pipeline_mode<synchronous>, transform_indices = @transform_5, window_bounds = array<i64: 64, 32>}, {pipeline_mode = #tpu.pipeline_mode<synchronous>, transform_indices = @transform_6, window_bounds = array<i64: 32>}, {pipeline_mode = #tpu.pipeline_mode<synchronous>, transform_indices = @transform_7, window_bounds = array<i64: 64, 128>}, {pipeline_mode = #tpu.pipeline_mode<synchronous>, transform_indices = @transform_8, window_bounds = array<i64: 128>}, {transform_indices = @transform_9, window_bounds = array<i64: 1, 512, 17>}, {transform_indices = @transform_10, window_bounds = array<i64: 1, 512, 32>}, {transform_indices = @transform_11, window_bounds = array<i64: 1, 512, 128>}]} {
    %get3A = arith.constant 0 : index
    %get3A_0 = arith.constant 0 : index
    %get3A_1 = arith.constant 0 : index
    %get3A_2 = vector.load %arg2[%get3A, %get3A_0, %get3A_1] : memref<1x512x1xf32, #tpu.memory_space<vmem>>, vector<1x512x1xf32>
    %get3A_3 = vector.shape_cast %get3A_2 : vector<1x512x1xf32> to vector<512x1xf32>
    %get3A_4 = arith.constant 0 : index
    %get3A_5 = arith.constant 0 : index
    %get3A_6 = arith.constant 0 : index
    %get3A_7 = vector.load %arg3[%get3A_4, %get3A_5, %get3A_6] : memref<1x512x1xf32, #tpu.memory_space<vmem>>, vector<1x512x1xf32>
    %get3A_8 = vector.shape_cast %get3A_7 : vector<1x512x1xf32> to vector<512x1xf32>
    %get3A_9 = arith.constant 0 : index
    %get3A_10 = arith.constant 0 : index
    %get3A_11 = arith.constant 0 : index
    %get3A_12 = vector.load %arg4[%get3A_9, %get3A_10, %get3A_11] : memref<1x1x4096xf32, #tpu.memory_space<vmem>>, vector<1x1x4096xf32>
    %get3A_13 = vector.shape_cast %get3A_12 : vector<1x1x4096xf32> to vector<1x4096xf32>
    %get3A_14 = arith.constant 0 : index
    %get3A_15 = arith.constant 0 : index
    %get3A_16 = arith.constant 0 : index
    %get3A_17 = vector.load %arg5[%get3A_14, %get3A_15, %get3A_16] : memref<1x1x4096xf32, #tpu.memory_space<vmem>>, vector<1x1x4096xf32>
    %get3A_18 = vector.shape_cast %get3A_17 : vector<1x1x4096xf32> to vector<1x4096xf32>
    %sub3A = vector.broadcast %get3A_3 : vector<512x1xf32> to vector<512x4096xf32>
    %sub3A_19 = vector.broadcast %get3A_13 : vector<1x4096xf32> to vector<512x4096xf32>
    %sub3A_20 = arith.subf %sub3A, %sub3A_19 : vector<512x4096xf32>
    %sub3A_21 = vector.broadcast %get3A_8 : vector<512x1xf32> to vector<512x4096xf32>
    %sub3A_22 = vector.broadcast %get3A_18 : vector<1x4096xf32> to vector<512x4096xf32>
    %sub3A_23 = arith.subf %sub3A_21, %sub3A_22 : vector<512x4096xf32>
    %mul3A = arith.mulf %sub3A_20, %sub3A_20 : vector<512x4096xf32>
    %mul3A_24 = arith.mulf %sub3A_23, %sub3A_23 : vector<512x4096xf32>
    %add3A = arith.addf %mul3A, %mul3A_24 : vector<512x4096xf32>
    %iota3A = tpu.iota {dimensions = array<i32: 1>} : vector<512x4096xi32>
    %bitcast_convert_type3A = tpu.bitcast %add3A : vector<512x4096xf32> -> vector<512x4096xi32>
    %and3A = arith.constant -4096 : i32
    %and3A_25 = vector.broadcast %and3A : i32 to vector<512x4096xi32>
    %and3A_26 = arith.andi %bitcast_convert_type3A, %and3A_25 : vector<512x4096xi32>
    %or3A = arith.ori %and3A_26, %iota3A : vector<512x4096xi32>
    %reduce_min3A = arith.constant dense<2147483647> : vector<512xi32>
    %reduce_min3A_27 = vector.multi_reduction <minsi>, %or3A, %reduce_min3A [1] : vector<512x4096xi32> to vector<512xi32>
    %broadcast_in_dim3A = vector.shape_cast %reduce_min3A_27 : vector<512xi32> to vector<512x1xi32>
    %eq3A = vector.broadcast %broadcast_in_dim3A : vector<512x1xi32> to vector<512x4096xi32>
    %eq3A_28 = arith.cmpi eq, %or3A, %eq3A : vector<512x4096xi32>
    %jit3A = arith.constant 2147483647 : i32
    %broadcast_in_dim3A_29 = vector.broadcast %jit3A : i32 to vector<512x4096xi32>
    %select_n3A = arith.select %eq3A_28, %broadcast_in_dim3A_29, %or3A : vector<512x4096xi1>, vector<512x4096xi32>
    %and3A_30 = arith.constant 4095 : i32
    %and3A_31 = vector.broadcast %and3A_30 : i32 to vector<512x1xi32>
    %and3A_32 = arith.andi %broadcast_in_dim3A, %and3A_31 : vector<512x1xi32>
    %reduce_min3A_33 = arith.constant dense<2147483647> : vector<512xi32>
    %reduce_min3A_34 = vector.multi_reduction <minsi>, %select_n3A, %reduce_min3A_33 [1] : vector<512x4096xi32> to vector<512xi32>
    %broadcast_in_dim3A_35 = vector.shape_cast %reduce_min3A_34 : vector<512xi32> to vector<512x1xi32>
    %eq3A_36 = vector.broadcast %broadcast_in_dim3A_35 : vector<512x1xi32> to vector<512x4096xi32>
    %eq3A_37 = arith.cmpi eq, %select_n3A, %eq3A_36 : vector<512x4096xi32>
    %jit3A_38 = arith.constant 2147483647 : i32
    %broadcast_in_dim3A_39 = vector.broadcast %jit3A_38 : i32 to vector<512x4096xi32>
    %select_n3A_40 = arith.select %eq3A_37, %broadcast_in_dim3A_39, %select_n3A : vector<512x4096xi1>, vector<512x4096xi32>
    %and3A_41 = arith.constant 4095 : i32
    %and3A_42 = vector.broadcast %and3A_41 : i32 to vector<512x1xi32>
    %and3A_43 = arith.andi %broadcast_in_dim3A_35, %and3A_42 : vector<512x1xi32>
    %reduce_min3A_44 = arith.constant dense<2147483647> : vector<512xi32>
    %reduce_min3A_45 = vector.multi_reduction <minsi>, %select_n3A_40, %reduce_min3A_44 [1] : vector<512x4096xi32> to vector<512xi32>
    %broadcast_in_dim3A_46 = vector.shape_cast %reduce_min3A_45 : vector<512xi32> to vector<512x1xi32>
    %eq3A_47 = vector.broadcast %broadcast_in_dim3A_46 : vector<512x1xi32> to vector<512x4096xi32>
    %eq3A_48 = arith.cmpi eq, %select_n3A_40, %eq3A_47 : vector<512x4096xi32>
    %jit3A_49 = arith.constant 2147483647 : i32
    %broadcast_in_dim3A_50 = vector.broadcast %jit3A_49 : i32 to vector<512x4096xi32>
    %select_n3A_51 = arith.select %eq3A_48, %broadcast_in_dim3A_50, %select_n3A_40 : vector<512x4096xi1>, vector<512x4096xi32>
    %and3A_52 = arith.constant 4095 : i32
    %and3A_53 = vector.broadcast %and3A_52 : i32 to vector<512x1xi32>
    %and3A_54 = arith.andi %broadcast_in_dim3A_46, %and3A_53 : vector<512x1xi32>
    %reduce_min3A_55 = arith.constant dense<2147483647> : vector<512xi32>
    %reduce_min3A_56 = vector.multi_reduction <minsi>, %select_n3A_51, %reduce_min3A_55 [1] : vector<512x4096xi32> to vector<512xi32>
    %broadcast_in_dim3A_57 = vector.shape_cast %reduce_min3A_56 : vector<512xi32> to vector<512x1xi32>
    %eq3A_58 = vector.broadcast %broadcast_in_dim3A_57 : vector<512x1xi32> to vector<512x4096xi32>
    %eq3A_59 = arith.cmpi eq, %select_n3A_51, %eq3A_58 : vector<512x4096xi32>
    %jit3A_60 = arith.constant 2147483647 : i32
    %broadcast_in_dim3A_61 = vector.broadcast %jit3A_60 : i32 to vector<512x4096xi32>
    %select_n3A_62 = arith.select %eq3A_59, %broadcast_in_dim3A_61, %select_n3A_51 : vector<512x4096xi1>, vector<512x4096xi32>
    %and3A_63 = arith.constant 4095 : i32
    %and3A_64 = vector.broadcast %and3A_63 : i32 to vector<512x1xi32>
    %and3A_65 = arith.andi %broadcast_in_dim3A_57, %and3A_64 : vector<512x1xi32>
    %reduce_min3A_66 = arith.constant dense<2147483647> : vector<512xi32>
    %reduce_min3A_67 = vector.multi_reduction <minsi>, %select_n3A_62, %reduce_min3A_66 [1] : vector<512x4096xi32> to vector<512xi32>
    %broadcast_in_dim3A_68 = vector.shape_cast %reduce_min3A_67 : vector<512xi32> to vector<512x1xi32>
    %eq3A_69 = vector.broadcast %broadcast_in_dim3A_68 : vector<512x1xi32> to vector<512x4096xi32>
    %eq3A_70 = arith.cmpi eq, %select_n3A_62, %eq3A_69 : vector<512x4096xi32>
    %jit3A_71 = arith.constant 2147483647 : i32
    %broadcast_in_dim3A_72 = vector.broadcast %jit3A_71 : i32 to vector<512x4096xi32>
    %select_n3A_73 = arith.select %eq3A_70, %broadcast_in_dim3A_72, %select_n3A_62 : vector<512x4096xi1>, vector<512x4096xi32>
    %and3A_74 = arith.constant 4095 : i32
    %and3A_75 = vector.broadcast %and3A_74 : i32 to vector<512x1xi32>
    %and3A_76 = arith.andi %broadcast_in_dim3A_68, %and3A_75 : vector<512x1xi32>
    %reduce_min3A_77 = arith.constant dense<2147483647> : vector<512xi32>
    %reduce_min3A_78 = vector.multi_reduction <minsi>, %select_n3A_73, %reduce_min3A_77 [1] : vector<512x4096xi32> to vector<512xi32>
    %broadcast_in_dim3A_79 = vector.shape_cast %reduce_min3A_78 : vector<512xi32> to vector<512x1xi32>
    %eq3A_80 = vector.broadcast %broadcast_in_dim3A_79 : vector<512x1xi32> to vector<512x4096xi32>
    %eq3A_81 = arith.cmpi eq, %select_n3A_73, %eq3A_80 : vector<512x4096xi32>
    %jit3A_82 = arith.constant 2147483647 : i32
    %broadcast_in_dim3A_83 = vector.broadcast %jit3A_82 : i32 to vector<512x4096xi32>
    %select_n3A_84 = arith.select %eq3A_81, %broadcast_in_dim3A_83, %select_n3A_73 : vector<512x4096xi1>, vector<512x4096xi32>
    %and3A_85 = arith.constant 4095 : i32
    %and3A_86 = vector.broadcast %and3A_85 : i32 to vector<512x1xi32>
    %and3A_87 = arith.andi %broadcast_in_dim3A_79, %and3A_86 : vector<512x1xi32>
    %reduce_min3A_88 = arith.constant dense<2147483647> : vector<512xi32>
    %reduce_min3A_89 = vector.multi_reduction <minsi>, %select_n3A_84, %reduce_min3A_88 [1] : vector<512x4096xi32> to vector<512xi32>
    %broadcast_in_dim3A_90 = vector.shape_cast %reduce_min3A_89 : vector<512xi32> to vector<512x1xi32>
    %eq3A_91 = vector.broadcast %broadcast_in_dim3A_90 : vector<512x1xi32> to vector<512x4096xi32>
    %eq3A_92 = arith.cmpi eq, %select_n3A_84, %eq3A_91 : vector<512x4096xi32>
    %jit3A_93 = arith.constant 2147483647 : i32
    %broadcast_in_dim3A_94 = vector.broadcast %jit3A_93 : i32 to vector<512x4096xi32>
    %select_n3A_95 = arith.select %eq3A_92, %broadcast_in_dim3A_94, %select_n3A_84 : vector<512x4096xi1>, vector<512x4096xi32>
    %and3A_96 = arith.constant 4095 : i32
    %and3A_97 = vector.broadcast %and3A_96 : i32 to vector<512x1xi32>
    %and3A_98 = arith.andi %broadcast_in_dim3A_90, %and3A_97 : vector<512x1xi32>
    %reduce_min3A_99 = arith.constant dense<2147483647> : vector<512xi32>
    %reduce_min3A_100 = vector.multi_reduction <minsi>, %select_n3A_95, %reduce_min3A_99 [1] : vector<512x4096xi32> to vector<512xi32>
    %broadcast_in_dim3A_101 = vector.shape_cast %reduce_min3A_100 : vector<512xi32> to vector<512x1xi32>
    %eq3A_102 = vector.broadcast %broadcast_in_dim3A_101 : vector<512x1xi32> to vector<512x4096xi32>
    %eq3A_103 = arith.cmpi eq, %select_n3A_95, %eq3A_102 : vector<512x4096xi32>
    %jit3A_104 = arith.constant 2147483647 : i32
    %broadcast_in_dim3A_105 = vector.broadcast %jit3A_104 : i32 to vector<512x4096xi32>
    %select_n3A_106 = arith.select %eq3A_103, %broadcast_in_dim3A_105, %select_n3A_95 : vector<512x4096xi1>, vector<512x4096xi32>
    %and3A_107 = arith.constant 4095 : i32
    %and3A_108 = vector.broadcast %and3A_107 : i32 to vector<512x1xi32>
    %and3A_109 = arith.andi %broadcast_in_dim3A_101, %and3A_108 : vector<512x1xi32>
    %reduce_min3A_110 = arith.constant dense<2147483647> : vector<512xi32>
    %reduce_min3A_111 = vector.multi_reduction <minsi>, %select_n3A_106, %reduce_min3A_110 [1] : vector<512x4096xi32> to vector<512xi32>
    %broadcast_in_dim3A_112 = vector.shape_cast %reduce_min3A_111 : vector<512xi32> to vector<512x1xi32>
    %eq3A_113 = vector.broadcast %broadcast_in_dim3A_112 : vector<512x1xi32> to vector<512x4096xi32>
    %eq3A_114 = arith.cmpi eq, %select_n3A_106, %eq3A_113 : vector<512x4096xi32>
    %jit3A_115 = arith.constant 2147483647 : i32
    %broadcast_in_dim3A_116 = vector.broadcast %jit3A_115 : i32 to vector<512x4096xi32>
    %select_n3A_117 = arith.select %eq3A_114, %broadcast_in_dim3A_116, %select_n3A_106 : vector<512x4096xi1>, vector<512x4096xi32>
    %and3A_118 = arith.constant 4095 : i32
    %and3A_119 = vector.broadcast %and3A_118 : i32 to vector<512x1xi32>
    %and3A_120 = arith.andi %broadcast_in_dim3A_112, %and3A_119 : vector<512x1xi32>
    %reduce_min3A_121 = arith.constant dense<2147483647> : vector<512xi32>
    %reduce_min3A_122 = vector.multi_reduction <minsi>, %select_n3A_117, %reduce_min3A_121 [1] : vector<512x4096xi32> to vector<512xi32>
    %broadcast_in_dim3A_123 = vector.shape_cast %reduce_min3A_122 : vector<512xi32> to vector<512x1xi32>
    %eq3A_124 = vector.broadcast %broadcast_in_dim3A_123 : vector<512x1xi32> to vector<512x4096xi32>
    %eq3A_125 = arith.cmpi eq, %select_n3A_117, %eq3A_124 : vector<512x4096xi32>
    %jit3A_126 = arith.constant 2147483647 : i32
    %broadcast_in_dim3A_127 = vector.broadcast %jit3A_126 : i32 to vector<512x4096xi32>
    %select_n3A_128 = arith.select %eq3A_125, %broadcast_in_dim3A_127, %select_n3A_117 : vector<512x4096xi1>, vector<512x4096xi32>
    %and3A_129 = arith.constant 4095 : i32
    %and3A_130 = vector.broadcast %and3A_129 : i32 to vector<512x1xi32>
    %and3A_131 = arith.andi %broadcast_in_dim3A_123, %and3A_130 : vector<512x1xi32>
    %reduce_min3A_132 = arith.constant dense<2147483647> : vector<512xi32>
    %reduce_min3A_133 = vector.multi_reduction <minsi>, %select_n3A_128, %reduce_min3A_132 [1] : vector<512x4096xi32> to vector<512xi32>
    %broadcast_in_dim3A_134 = vector.shape_cast %reduce_min3A_133 : vector<512xi32> to vector<512x1xi32>
    %eq3A_135 = vector.broadcast %broadcast_in_dim3A_134 : vector<512x1xi32> to vector<512x4096xi32>
    %eq3A_136 = arith.cmpi eq, %select_n3A_128, %eq3A_135 : vector<512x4096xi32>
    %jit3A_137 = arith.constant 2147483647 : i32
    %broadcast_in_dim3A_138 = vector.broadcast %jit3A_137 : i32 to vector<512x4096xi32>
    %select_n3A_139 = arith.select %eq3A_136, %broadcast_in_dim3A_138, %select_n3A_128 : vector<512x4096xi1>, vector<512x4096xi32>
    %and3A_140 = arith.constant 4095 : i32
    %and3A_141 = vector.broadcast %and3A_140 : i32 to vector<512x1xi32>
    %and3A_142 = arith.andi %broadcast_in_dim3A_134, %and3A_141 : vector<512x1xi32>
    %reduce_min3A_143 = arith.constant dense<2147483647> : vector<512xi32>
    %reduce_min3A_144 = vector.multi_reduction <minsi>, %select_n3A_139, %reduce_min3A_143 [1] : vector<512x4096xi32> to vector<512xi32>
    %broadcast_in_dim3A_145 = vector.shape_cast %reduce_min3A_144 : vector<512xi32> to vector<512x1xi32>
    %eq3A_146 = vector.broadcast %broadcast_in_dim3A_145 : vector<512x1xi32> to vector<512x4096xi32>
    %eq3A_147 = arith.cmpi eq, %select_n3A_139, %eq3A_146 : vector<512x4096xi32>
    %jit3A_148 = arith.constant 2147483647 : i32
    %broadcast_in_dim3A_149 = vector.broadcast %jit3A_148 : i32 to vector<512x4096xi32>
    %select_n3A_150 = arith.select %eq3A_147, %broadcast_in_dim3A_149, %select_n3A_139 : vector<512x4096xi1>, vector<512x4096xi32>
    %and3A_151 = arith.constant 4095 : i32
    %and3A_152 = vector.broadcast %and3A_151 : i32 to vector<512x1xi32>
    %and3A_153 = arith.andi %broadcast_in_dim3A_145, %and3A_152 : vector<512x1xi32>
    %reduce_min3A_154 = arith.constant dense<2147483647> : vector<512xi32>
    %reduce_min3A_155 = vector.multi_reduction <minsi>, %select_n3A_150, %reduce_min3A_154 [1] : vector<512x4096xi32> to vector<512xi32>
    %broadcast_in_dim3A_156 = vector.shape_cast %reduce_min3A_155 : vector<512xi32> to vector<512x1xi32>
    %eq3A_157 = vector.broadcast %broadcast_in_dim3A_156 : vector<512x1xi32> to vector<512x4096xi32>
    %eq3A_158 = arith.cmpi eq, %select_n3A_150, %eq3A_157 : vector<512x4096xi32>
    %jit3A_159 = arith.constant 2147483647 : i32
    %broadcast_in_dim3A_160 = vector.broadcast %jit3A_159 : i32 to vector<512x4096xi32>
    %select_n3A_161 = arith.select %eq3A_158, %broadcast_in_dim3A_160, %select_n3A_150 : vector<512x4096xi1>, vector<512x4096xi32>
    %and3A_162 = arith.constant 4095 : i32
    %and3A_163 = vector.broadcast %and3A_162 : i32 to vector<512x1xi32>
    %and3A_164 = arith.andi %broadcast_in_dim3A_156, %and3A_163 : vector<512x1xi32>
    %reduce_min3A_165 = arith.constant dense<2147483647> : vector<512xi32>
    %reduce_min3A_166 = vector.multi_reduction <minsi>, %select_n3A_161, %reduce_min3A_165 [1] : vector<512x4096xi32> to vector<512xi32>
    %broadcast_in_dim3A_167 = vector.shape_cast %reduce_min3A_166 : vector<512xi32> to vector<512x1xi32>
    %eq3A_168 = vector.broadcast %broadcast_in_dim3A_167 : vector<512x1xi32> to vector<512x4096xi32>
    %eq3A_169 = arith.cmpi eq, %select_n3A_161, %eq3A_168 : vector<512x4096xi32>
    %jit3A_170 = arith.constant 2147483647 : i32
    %broadcast_in_dim3A_171 = vector.broadcast %jit3A_170 : i32 to vector<512x4096xi32>
    %select_n3A_172 = arith.select %eq3A_169, %broadcast_in_dim3A_171, %select_n3A_161 : vector<512x4096xi1>, vector<512x4096xi32>
    %and3A_173 = arith.constant 4095 : i32
    %and3A_174 = vector.broadcast %and3A_173 : i32 to vector<512x1xi32>
    %and3A_175 = arith.andi %broadcast_in_dim3A_167, %and3A_174 : vector<512x1xi32>
    %reduce_min3A_176 = arith.constant dense<2147483647> : vector<512xi32>
    %reduce_min3A_177 = vector.multi_reduction <minsi>, %select_n3A_172, %reduce_min3A_176 [1] : vector<512x4096xi32> to vector<512xi32>
    %broadcast_in_dim3A_178 = vector.shape_cast %reduce_min3A_177 : vector<512xi32> to vector<512x1xi32>
    %eq3A_179 = vector.broadcast %broadcast_in_dim3A_178 : vector<512x1xi32> to vector<512x4096xi32>
    %eq3A_180 = arith.cmpi eq, %select_n3A_172, %eq3A_179 : vector<512x4096xi32>
    %jit3A_181 = arith.constant 2147483647 : i32
    %broadcast_in_dim3A_182 = vector.broadcast %jit3A_181 : i32 to vector<512x4096xi32>
    %select_n3A_183 = arith.select %eq3A_180, %broadcast_in_dim3A_182, %select_n3A_172 : vector<512x4096xi1>, vector<512x4096xi32>
    %and3A_184 = arith.constant 4095 : i32
    %and3A_185 = vector.broadcast %and3A_184 : i32 to vector<512x1xi32>
    %and3A_186 = arith.andi %broadcast_in_dim3A_178, %and3A_185 : vector<512x1xi32>
    %reduce_min3A_187 = arith.constant dense<2147483647> : vector<512xi32>
    %reduce_min3A_188 = vector.multi_reduction <minsi>, %select_n3A_183, %reduce_min3A_187 [1] : vector<512x4096xi32> to vector<512xi32>
    %broadcast_in_dim3A_189 = vector.shape_cast %reduce_min3A_188 : vector<512xi32> to vector<512x1xi32>
    %eq3A_190 = vector.broadcast %broadcast_in_dim3A_189 : vector<512x1xi32> to vector<512x4096xi32>
    %eq3A_191 = arith.cmpi eq, %select_n3A_183, %eq3A_190 : vector<512x4096xi32>
    %jit3A_192 = arith.constant 2147483647 : i32
    %broadcast_in_dim3A_193 = vector.broadcast %jit3A_192 : i32 to vector<512x4096xi32>
    %select_n3A_194 = arith.select %eq3A_191, %broadcast_in_dim3A_193, %select_n3A_183 : vector<512x4096xi1>, vector<512x4096xi32>
    %and3A_195 = arith.constant 4095 : i32
    %and3A_196 = vector.broadcast %and3A_195 : i32 to vector<512x1xi32>
    %and3A_197 = arith.andi %broadcast_in_dim3A_189, %and3A_196 : vector<512x1xi32>
    %reduce_min3A_198 = arith.constant dense<2147483647> : vector<512xi32>
    %reduce_min3A_199 = vector.multi_reduction <minsi>, %select_n3A_194, %reduce_min3A_198 [1] : vector<512x4096xi32> to vector<512xi32>
    %broadcast_in_dim3A_200 = vector.shape_cast %reduce_min3A_199 : vector<512xi32> to vector<512x1xi32>
    %and3A_201 = arith.constant 4095 : i32
    %and3A_202 = vector.broadcast %and3A_201 : i32 to vector<512x1xi32>
    %and3A_203 = arith.andi %broadcast_in_dim3A_200, %and3A_202 : vector<512x1xi32>
    %concatenate3A = tpu.concatenate %and3A_32, %and3A_43, %and3A_54, %and3A_65, %and3A_76, %and3A_87, %and3A_98, %and3A_109, %and3A_120, %and3A_131, %and3A_142, %and3A_153, %and3A_164, %and3A_175, %and3A_186, %and3A_197, %and3A_203 in 1 : vector<512x1xi32>, vector<512x1xi32>, vector<512x1xi32>, vector<512x1xi32>, vector<512x1xi32>, vector<512x1xi32>, vector<512x1xi32>, vector<512x1xi32>, vector<512x1xi32>, vector<512x1xi32>, vector<512x1xi32>, vector<512x1xi32>, vector<512x1xi32>, vector<512x1xi32>, vector<512x1xi32>, vector<512x1xi32>, vector<512x1xi32> -> vector<512x17xi32>
    %swap3A = arith.constant 0 : index
    %swap3A_204 = arith.constant 0 : index
    %swap3A_205 = arith.constant 0 : index
    %swap3A_206 = vector.load %arg11[%swap3A, %swap3A_204, %swap3A_205] : memref<1x512x17xi32, #tpu.memory_space<vmem>>, vector<1x512x17xi32>
    %swap3A_207 = vector.shape_cast %swap3A_206 : vector<1x512x17xi32> to vector<512x17xi32>
    %swap3A_208 = vector.shape_cast %concatenate3A : vector<512x17xi32> to vector<1x512x17xi32>
    tpu.vector_store %arg11[%swap3A, %swap3A_204, %swap3A_205], %swap3A_208 {strides = array<i32>} : memref<1x512x17xi32, #tpu.memory_space<vmem>>, vector<1x512x17xi32>,
    %get3A_209 = arith.constant 0 : index
    %get3A_210 = arith.constant 0 : index
    %get3A_211 = arith.constant 0 : index
    %get3A_212 = vector.load %arg6[%get3A_209, %get3A_210, %get3A_211] : memref<1x512x64xf32, #tpu.memory_space<vmem>>, vector<1x512x64xf32>
    %get3A_213 = vector.shape_cast %get3A_212 : vector<1x512x64xf32> to vector<512x64xf32>
    %get3A_214 = arith.constant 0 : index
    %get3A_215 = arith.constant 0 : index
    %get3A_216 = vector.load %arg7[%get3A_214, %get3A_215] : memref<64x32xf32, #tpu.memory_space<vmem>>, vector<64x32xf32>
    %dot_general3A = arith.constant dense<0.000000e+00> : vector<512x32xf32>
    %dot_general3A_217 = tpu.matmul %get3A_213, %get3A_216, %dot_general3A {dimension_numbers = #tpu.dot_dimension_numbers<[1], [0], [0], [1], [0, 0, 1, 1], [], []>, transpose_lhs_hint = false} : vector<512x64xf32>, vector<64x32xf32>, vector<512x32xf32> -> vector<512x32xf32>
    %get3A_218 = arith.constant 0 : index
    %get3A_219 = vector.load %arg8[%get3A_218] : memref<32xf32, #tpu.memory_space<vmem>>, vector<32xf32>
    %broadcast_in_dim3A_220 = vector.shape_cast %get3A_219 : vector<32xf32> to vector<1x32xf32>
    %add3A_221 = vector.broadcast %broadcast_in_dim3A_220 : vector<1x32xf32> to vector<512x32xf32>
    %add3A_222 = arith.addf %dot_general3A_217, %add3A_221 : vector<512x32xf32>
    %max3A = arith.constant 0.000000e+00 : f32
    %max3A_223 = vector.broadcast %max3A : f32 to vector<512x32xf32>
    %max3A_224 = arith.maximumf %add3A_222, %max3A_223 : vector<512x32xf32>
    %swap3A_225 = arith.constant 0 : index
    %swap3A_226 = arith.constant 0 : index
    %swap3A_227 = arith.constant 0 : index
    %swap3A_228 = vector.load %arg12[%swap3A_225, %swap3A_226, %swap3A_227] : memref<1x512x32xf32, #tpu.memory_space<vmem>>, vector<1x512x32xf32>
    %swap3A_229 = vector.shape_cast %swap3A_228 : vector<1x512x32xf32> to vector<512x32xf32>
    %swap3A_230 = vector.shape_cast %max3A_224 : vector<512x32xf32> to vector<1x512x32xf32>
    tpu.vector_store %arg12[%swap3A_225, %swap3A_226, %swap3A_227], %swap3A_230 {strides = array<i32>} : memref<1x512x32xf32, #tpu.memory_space<vmem>>, vector<1x512x32xf32>,
    %get3A_231 = arith.constant 0 : index
    %get3A_232 = arith.constant 0 : index
    %get3A_233 = vector.load %arg9[%get3A_231, %get3A_232] : memref<64x128xf32, #tpu.memory_space<vmem>>, vector<64x128xf32>
    %dot_general3A_234 = arith.constant dense<0.000000e+00> : vector<512x128xf32>
    %dot_general3A_235 = tpu.matmul %get3A_213, %get3A_233, %dot_general3A_234 {dimension_numbers = #tpu.dot_dimension_numbers<[1], [0], [0], [1], [0, 0, 1, 1], [], []>, transpose_lhs_hint = false} : vector<512x64xf32>, vector<64x128xf32>, vector<512x128xf32> -> vector<512x128xf32>
    %get3A_236 = arith.constant 0 : index
    %get3A_237 = vector.load %arg10[%get3A_236] : memref<128xf32, #tpu.memory_space<vmem>>, vector<128xf32>
    %broadcast_in_dim3A_238 = vector.shape_cast %get3A_237 : vector<128xf32> to vector<1x128xf32>
    %add3A_239 = vector.broadcast %broadcast_in_dim3A_238 : vector<1x128xf32> to vector<512x128xf32>
    %add3A_240 = arith.addf %dot_general3A_235, %add3A_239 : vector<512x128xf32>
    %max3A_241 = arith.constant 0.000000e+00 : f32
    %max3A_242 = vector.broadcast %max3A_241 : f32 to vector<512x128xf32>
    %max3A_243 = arith.maximumf %add3A_240, %max3A_242 : vector<512x128xf32>
    %swap3A_244 = arith.constant 0 : index
    %swap3A_245 = arith.constant 0 : index
    %swap3A_246 = arith.constant 0 : index
    %swap3A_247 = vector.load %arg13[%swap3A_244, %swap3A_245, %swap3A_246] : memref<1x512x128xf32, #tpu.memory_space<vmem>>, vector<1x512x128xf32>
    %swap3A_248 = vector.shape_cast %swap3A_247 : vector<1x512x128xf32> to vector<512x128xf32>
    %swap3A_249 = vector.shape_cast %max3A_243 : vector<512x128xf32> to vector<1x512x128xf32>
    tpu.vector_store %arg13[%swap3A_244, %swap3A_245, %swap3A_246], %swap3A_249 {strides = array<i32>} : memref<1x512x128xf32, #tpu.memory_space<vmem>>, vector<1x512x128xf32>,
    return
  }
  func.func @transform_0(%arg0: i32, %arg1: i32) -> (i32, i32, i32) {
    %c0_i32 = arith.constant 0 : i32
    %c0_i32_0 = arith.constant 0 : i32
    return %arg0, %arg1, %c0_i32 : i32, i32, i32
  }
  func.func @transform_1(%arg0: i32, %arg1: i32) -> (i32, i32, i32) {
    %c0_i32 = arith.constant 0 : i32
    %c0_i32_0 = arith.constant 0 : i32
    return %arg0, %arg1, %c0_i32 : i32, i32, i32
  }
  func.func @transform_2(%arg0: i32, %arg1: i32) -> (i32, i32, i32) {
    %c0_i32 = arith.constant 0 : i32
    %c0_i32_0 = arith.constant 0 : i32
    %c0_i32_1 = arith.constant 0 : i32
    return %arg0, %c0_i32, %c0_i32_0 : i32, i32, i32
  }
  func.func @transform_3(%arg0: i32, %arg1: i32) -> (i32, i32, i32) {
    %c0_i32 = arith.constant 0 : i32
    %c0_i32_0 = arith.constant 0 : i32
    %c0_i32_1 = arith.constant 0 : i32
    return %arg0, %c0_i32, %c0_i32_0 : i32, i32, i32
  }
  func.func @transform_4(%arg0: i32, %arg1: i32) -> (i32, i32, i32) {
    %c0_i32 = arith.constant 0 : i32
    %c0_i32_0 = arith.constant 0 : i32
    return %arg0, %arg1, %c0_i32 : i32, i32, i32
  }
  func.func @transform_5(%arg0: i32, %arg1: i32) -> (i32, i32) {
    %c0_i32 = arith.constant 0 : i32
    %c0_i32_0 = arith.constant 0 : i32
    %c0_i32_1 = arith.constant 0 : i32
    return %c0_i32, %c0_i32_0 : i32, i32
  }
  func.func @transform_6(%arg0: i32, %arg1: i32) -> i32 {
    %c0_i32 = arith.constant 0 : i32
    %c0_i32_0 = arith.constant 0 : i32
    return %c0_i32 : i32
  }
  func.func @transform_7(%arg0: i32, %arg1: i32) -> (i32, i32) {
    %c0_i32 = arith.constant 0 : i32
    %c0_i32_0 = arith.constant 0 : i32
    %c0_i32_1 = arith.constant 0 : i32
    return %c0_i32, %c0_i32_0 : i32, i32
  }
  func.func @transform_8(%arg0: i32, %arg1: i32) -> i32 {
    %c0_i32 = arith.constant 0 : i32
    %c0_i32_0 = arith.constant 0 : i32
    return %c0_i32 : i32
  }
  func.func @transform_9(%arg0: i32, %arg1: i32) -> (i32, i32, i32) {
    %c0_i32 = arith.constant 0 : i32
    %c0_i32_0 = arith.constant 0 : i32
    return %arg0, %arg1, %c0_i32 : i32, i32, i32
  }
  func.func @transform_10(%arg0: i32, %arg1: i32) -> (i32, i32, i32) {
    %c0_i32 = arith.constant 0 : i32
    %c0_i32_0 = arith.constant 0 : i32
    return %arg0, %arg1, %c0_i32 : i32, i32, i32
  }
  func.func @transform_11(%arg0: i32, %arg1: i32) -> (i32, i32, i32) {
    %c0_i32 = arith.constant 0 : i32
    %c0_i32_0 = arith.constant 0 : i32
    return %arg0, %arg1, %c0_i32 : i32, i32, i32
  }
}

module attributes {stable_mosaic.version = 14 : i64} {
  func.func @_att0_kernel(%arg0: i32, %arg1: i32, %arg2: memref<1x512x17xf32, #tpu.memory_space<vmem>>, %arg3: memref<1x512x17xf32, #tpu.memory_space<vmem>>, %arg4: memref<1x17x512xf32, #tpu.memory_space<vmem>>, %arg5: memref<1x17x512xf32, #tpu.memory_space<vmem>>, %arg6: memref<1x17x512x32xf32, #tpu.memory_space<vmem>>, %arg7: memref<17x32xf32, #tpu.memory_space<vmem>>, %arg8: memref<17x32xf32, #tpu.memory_space<vmem>>, %arg9: memref<32xf32, #tpu.memory_space<vmem>>, %arg10: memref<32xf32, #tpu.memory_space<vmem>>, %arg11: memref<32xf32, #tpu.memory_space<vmem>>, %arg12: memref<32xf32, #tpu.memory_space<vmem>>, %arg13: memref<64x64xf32, #tpu.memory_space<vmem>>, %arg14: memref<64xf32, #tpu.memory_space<vmem>>, %arg15: memref<66x64xf32, #tpu.memory_space<vmem>>, %arg16: memref<64xf32, #tpu.memory_space<vmem>>, %arg17: memref<1x512x64xf32, #tpu.memory_space<vmem>>) attributes {dimension_semantics = [#tpu.dimension_semantics<arbitrary>, #tpu.dimension_semantics<arbitrary>], iteration_bounds = array<i64: 4, 8>, scalar_prefetch = 0 : i64, scratch_operands = 0 : i64, tpu.core_type = #tpu.core_type<tc>, window_params = [{transform_indices = @transform_0, window_bounds = array<i64: 1, 512, 17>}, {transform_indices = @transform_1, window_bounds = array<i64: 1, 512, 17>}, {transform_indices = @transform_2, window_bounds = array<i64: 1, 17, 512>}, {transform_indices = @transform_3, window_bounds = array<i64: 1, 17, 512>}, {transform_indices = @transform_4, window_bounds = array<i64: 1, 17, 512, 32>}, {pipeline_mode = #tpu.pipeline_mode<synchronous>, transform_indices = @transform_5, window_bounds = array<i64: 17, 32>}, {pipeline_mode = #tpu.pipeline_mode<synchronous>, transform_indices = @transform_6, window_bounds = array<i64: 17, 32>}, {pipeline_mode = #tpu.pipeline_mode<synchronous>, transform_indices = @transform_7, window_bounds = array<i64: 32>}, {pipeline_mode = #tpu.pipeline_mode<synchronous>, transform_indices = @transform_8, window_bounds = array<i64: 32>}, {pipeline_mode = #tpu.pipeline_mode<synchronous>, transform_indices = @transform_9, window_bounds = array<i64: 32>}, {pipeline_mode = #tpu.pipeline_mode<synchronous>, transform_indices = @transform_10, window_bounds = array<i64: 32>}, {pipeline_mode = #tpu.pipeline_mode<synchronous>, transform_indices = @transform_11, window_bounds = array<i64: 64, 64>}, {pipeline_mode = #tpu.pipeline_mode<synchronous>, transform_indices = @transform_12, window_bounds = array<i64: 64>}, {pipeline_mode = #tpu.pipeline_mode<synchronous>, transform_indices = @transform_13, window_bounds = array<i64: 66, 64>}, {pipeline_mode = #tpu.pipeline_mode<synchronous>, transform_indices = @transform_14, window_bounds = array<i64: 64>}, {transform_indices = @transform_15, window_bounds = array<i64: 1, 512, 64>}]} {
    %get3A = arith.constant 0 : index
    %get3A_0 = arith.constant 0 : index
    %get3A_1 = arith.constant 0 : index
    %get3A_2 = vector.load %arg2[%get3A, %get3A_0, %get3A_1] : memref<1x512x17xf32, #tpu.memory_space<vmem>>, vector<1x512x17xf32>
    %get3A_3 = vector.shape_cast %get3A_2 : vector<1x512x17xf32> to vector<512x17xf32>
    %get3A_4 = arith.constant 0 : index
    %get3A_5 = arith.constant 0 : index
    %get3A_6 = arith.constant 0 : index
    %get3A_7 = vector.load %arg3[%get3A_4, %get3A_5, %get3A_6] : memref<1x512x17xf32, #tpu.memory_space<vmem>>, vector<1x512x17xf32>
    %get3A_8 = vector.shape_cast %get3A_7 : vector<1x512x17xf32> to vector<512x17xf32>
    %get3A_9 = arith.constant 0 : index
    %get3A_10 = arith.constant 0 : index
    %get3A_11 = arith.constant 0 : index
    %get3A_12 = vector.load %arg4[%get3A_9, %get3A_10, %get3A_11] : memref<1x17x512xf32, #tpu.memory_space<vmem>>, vector<1x17x512xf32>
    %get3A_13 = vector.shape_cast %get3A_12 : vector<1x17x512xf32> to vector<17x512xf32>
    %get3A_14 = arith.constant 0 : index
    %get3A_15 = arith.constant 0 : index
    %get3A_16 = arith.constant 0 : index
    %get3A_17 = vector.load %arg5[%get3A_14, %get3A_15, %get3A_16] : memref<1x17x512xf32, #tpu.memory_space<vmem>>, vector<1x17x512xf32>
    %get3A_18 = vector.shape_cast %get3A_17 : vector<1x17x512xf32> to vector<17x512xf32>
    %get3A_19 = arith.constant 0 : index
    %get3A_20 = arith.constant 0 : index
    %get3A_21 = arith.constant 0 : index
    %get3A_22 = arith.constant 0 : index
    %get3A_23 = vector.load %arg6[%get3A_19, %get3A_20, %get3A_21, %get3A_22] : memref<1x17x512x32xf32, #tpu.memory_space<vmem>>, vector<1x17x512x32xf32>
    %get3A_24 = vector.shape_cast %get3A_23 : vector<1x17x512x32xf32> to vector<17x512x32xf32>
    %get3A_25 = arith.constant 0 : index
    %get3A_26 = arith.constant 0 : index
    %get3A_27 = vector.load %arg7[%get3A_25, %get3A_26] : memref<17x32xf32, #tpu.memory_space<vmem>>, vector<17x32xf32>
    %get3A_28 = arith.constant 0 : index
    %get3A_29 = arith.constant 0 : index
    %get3A_30 = vector.load %arg8[%get3A_28, %get3A_29] : memref<17x32xf32, #tpu.memory_space<vmem>>, vector<17x32xf32>
    %get3A_31 = arith.constant 0 : index
    %get3A_32 = vector.load %arg9[%get3A_31] : memref<32xf32, #tpu.memory_space<vmem>>, vector<32xf32>
    %get3A_33 = arith.constant 0 : index
    %get3A_34 = vector.load %arg10[%get3A_33] : memref<32xf32, #tpu.memory_space<vmem>>, vector<32xf32>
    %get3A_35 = arith.constant 0 : index
    %get3A_36 = vector.load %arg11[%get3A_35] : memref<32xf32, #tpu.memory_space<vmem>>, vector<32xf32>
    %get3A_37 = arith.constant 0 : index
    %get3A_38 = vector.load %arg12[%get3A_37] : memref<32xf32, #tpu.memory_space<vmem>>, vector<32xf32>
    %get3A_39 = arith.constant 0 : index
    %get3A_40 = arith.constant 0 : index
    %get3A_41 = vector.load %arg13[%get3A_39, %get3A_40] : memref<64x64xf32, #tpu.memory_space<vmem>>, vector<64x64xf32>
    %get3A_42 = arith.constant 0 : index
    %get3A_43 = vector.load %arg14[%get3A_42] : memref<64xf32, #tpu.memory_space<vmem>>, vector<64xf32>
    %get3A_44 = arith.constant 0 : index
    %get3A_45 = arith.constant 0 : index
    %get3A_46 = vector.load %arg15[%get3A_44, %get3A_45] : memref<66x64xf32, #tpu.memory_space<vmem>>, vector<66x64xf32>
    %get3A_47 = arith.constant 0 : index
    %get3A_48 = vector.load %arg16[%get3A_47] : memref<64xf32, #tpu.memory_space<vmem>>, vector<64xf32>
    %dot_general3A = arith.constant dense<0.000000e+00> : vector<512x32xf32>
    %dot_general3A_49 = tpu.matmul %get3A_3, %get3A_27, %dot_general3A {dimension_numbers = #tpu.dot_dimension_numbers<[1], [0], [0], [1], [0, 0, 1, 1], [], []>, transpose_lhs_hint = false} : vector<512x17xf32>, vector<17x32xf32>, vector<512x32xf32> -> vector<512x32xf32>
    %dot_general3A_50 = arith.constant dense<0.000000e+00> : vector<512x32xf32>
    %dot_general3A_51 = tpu.matmul %get3A_8, %get3A_30, %dot_general3A_50 {dimension_numbers = #tpu.dot_dimension_numbers<[1], [0], [0], [1], [0, 0, 1, 1], [], []>, transpose_lhs_hint = false} : vector<512x17xf32>, vector<17x32xf32>, vector<512x32xf32> -> vector<512x32xf32>
    %add3A = arith.addf %dot_general3A_49, %dot_general3A_51 : vector<512x32xf32>
    %broadcast_in_dim3A = vector.shape_cast %get3A_38 : vector<32xf32> to vector<1x32xf32>
    %add3A_52 = vector.broadcast %broadcast_in_dim3A : vector<1x32xf32> to vector<512x32xf32>
    %add3A_53 = arith.addf %add3A, %add3A_52 : vector<512x32xf32>
    %mul3A = arith.mulf %get3A_13, %get3A_13 : vector<17x512xf32>
    %mul3A_54 = arith.mulf %get3A_18, %get3A_18 : vector<17x512xf32>
    %add3A_55 = arith.addf %mul3A, %mul3A_54 : vector<17x512xf32>
    %add3A_56 = arith.constant 9.99999996E-13 : f32
    %add3A_57 = vector.broadcast %add3A_56 : f32 to vector<17x512xf32>
    %add3A_58 = arith.addf %add3A_55, %add3A_57 : vector<17x512xf32>
    %sqrt3A = math.sqrt %add3A_58 : vector<17x512xf32>
    %broadcast_in_dim3A_59 = vector.shape_cast %add3A_53 : vector<512x32xf32> to vector<1x512x32xf32>
    %broadcast_in_dim3A_60 = vector.shape_cast %get3A_13 : vector<17x512xf32> to vector<17x512x1xf32>
    %broadcast_in_dim3A_61 = vector.shape_cast %get3A_34 : vector<32xf32> to vector<1x1x32xf32>
    %mul3A_62 = vector.broadcast %broadcast_in_dim3A_60 : vector<17x512x1xf32> to vector<17x512x32xf32>
    %mul3A_63 = vector.broadcast %broadcast_in_dim3A_61 : vector<1x1x32xf32> to vector<17x512x32xf32>
    %mul3A_64 = arith.mulf %mul3A_62, %mul3A_63 : vector<17x512x32xf32>
    %add3A_65 = vector.broadcast %broadcast_in_dim3A_59 : vector<1x512x32xf32> to vector<17x512x32xf32>
    %add3A_66 = arith.addf %add3A_65, %mul3A_64 : vector<17x512x32xf32>
    %broadcast_in_dim3A_67 = vector.shape_cast %get3A_18 : vector<17x512xf32> to vector<17x512x1xf32>
    %broadcast_in_dim3A_68 = vector.shape_cast %get3A_36 : vector<32xf32> to vector<1x1x32xf32>
    %mul3A_69 = vector.broadcast %broadcast_in_dim3A_67 : vector<17x512x1xf32> to vector<17x512x32xf32>
    %mul3A_70 = vector.broadcast %broadcast_in_dim3A_68 : vector<1x1x32xf32> to vector<17x512x32xf32>
    %mul3A_71 = arith.mulf %mul3A_69, %mul3A_70 : vector<17x512x32xf32>
    %add3A_72 = arith.addf %add3A_66, %mul3A_71 : vector<17x512x32xf32>
    %broadcast_in_dim3A_73 = vector.shape_cast %sqrt3A : vector<17x512xf32> to vector<17x512x1xf32>
    %broadcast_in_dim3A_74 = vector.shape_cast %get3A_32 : vector<32xf32> to vector<1x1x32xf32>
    %mul3A_75 = vector.broadcast %broadcast_in_dim3A_73 : vector<17x512x1xf32> to vector<17x512x32xf32>
    %mul3A_76 = vector.broadcast %broadcast_in_dim3A_74 : vector<1x1x32xf32> to vector<17x512x32xf32>
    %mul3A_77 = arith.mulf %mul3A_75, %mul3A_76 : vector<17x512x32xf32>
    %add3A_78 = arith.addf %add3A_72, %mul3A_77 : vector<17x512x32xf32>
    %max3A = arith.constant 0.000000e+00 : f32
    %max3A_79 = vector.broadcast %max3A : f32 to vector<17x512x32xf32>
    %max3A_80 = arith.maximumf %add3A_78, %max3A_79 : vector<17x512x32xf32>
    %concatenate3A = tpu.concatenate %get3A_24, %max3A_80 in 2 : vector<17x512x32xf32>, vector<17x512x32xf32> -> vector<17x512x64xf32>
    %reshape3A = vector.shape_cast %concatenate3A : vector<17x512x64xf32> to vector<8704x64xf32>
    %dot_general3A_81 = arith.constant dense<0.000000e+00> : vector<8704x64xf32>
    %dot_general3A_82 = tpu.matmul %reshape3A, %get3A_41, %dot_general3A_81 {dimension_numbers = #tpu.dot_dimension_numbers<[1], [0], [0], [1], [0, 0, 1, 1], [], []>, transpose_lhs_hint = false} : vector<8704x64xf32>, vector<64x64xf32>, vector<8704x64xf32> -> vector<8704x64xf32>
    %broadcast_in_dim3A_83 = vector.shape_cast %get3A_43 : vector<64xf32> to vector<1x64xf32>
    %add3A_84 = vector.broadcast %broadcast_in_dim3A_83 : vector<1x64xf32> to vector<8704x64xf32>
    %add3A_85 = arith.addf %dot_general3A_82, %add3A_84 : vector<8704x64xf32>
    %reduce_max3A = arith.constant dense<0xFF800000> : vector<8704xf32>
    %reduce_max3A_86 = vector.multi_reduction <maximumf>, %add3A_85, %reduce_max3A [1] : vector<8704x64xf32> to vector<8704xf32>
    %broadcast_in_dim3A_87 = vector.shape_cast %reduce_max3A_86 : vector<8704xf32> to vector<8704x1xf32>
    %sub3A = vector.broadcast %broadcast_in_dim3A_87 : vector<8704x1xf32> to vector<8704x64xf32>
    %sub3A_88 = arith.subf %add3A_85, %sub3A : vector<8704x64xf32>
    %exp3A = math.exp %sub3A_88 : vector<8704x64xf32>
    %reduce_sum3A = arith.constant dense<0.000000e+00> : vector<8704xf32>
    %reduce_sum3A_89 = vector.multi_reduction <add>, %exp3A, %reduce_sum3A [1] : vector<8704x64xf32> to vector<8704xf32>
    %broadcast_in_dim3A_90 = vector.shape_cast %reduce_sum3A_89 : vector<8704xf32> to vector<8704x1xf32>
    %div3A = vector.broadcast %broadcast_in_dim3A_90 : vector<8704x1xf32> to vector<8704x64xf32>
    %div3A_91 = arith.divf %exp3A, %div3A : vector<8704x64xf32>
    %reshape3A_92 = vector.shape_cast %div3A_91 : vector<8704x64xf32> to vector<17x512x64xf32>
    %mul3A_93 = arith.mulf %concatenate3A, %reshape3A_92 : vector<17x512x64xf32>
    %reduce_sum3A_94 = arith.constant dense<0.000000e+00> : vector<512x64xf32>
    %reduce_sum3A_95 = vector.multi_reduction <add>, %mul3A_93, %reduce_sum3A_94 [0] : vector<17x512x64xf32> to vector<512x64xf32>
    %reduce_sum3A_96 = arith.constant dense<0.000000e+00> : vector<512xf32>
    %reduce_sum3A_97 = vector.multi_reduction <add>, %get3A_3, %reduce_sum3A_96 [1] : vector<512x17xf32> to vector<512xf32>
    %broadcast_in_dim3A_98 = vector.shape_cast %reduce_sum3A_97 : vector<512xf32> to vector<512x1xf32>
    %reduce_sum3A_99 = arith.constant dense<0.000000e+00> : vector<512xf32>
    %reduce_sum3A_100 = vector.multi_reduction <add>, %get3A_8, %reduce_sum3A_99 [1] : vector<512x17xf32> to vector<512xf32>
    %broadcast_in_dim3A_101 = vector.shape_cast %reduce_sum3A_100 : vector<512xf32> to vector<512x1xf32>
    %mul3A_102 = arith.mulf %get3A_3, %get3A_8 : vector<512x17xf32>
    %reduce_sum3A_103 = arith.constant dense<0.000000e+00> : vector<512xf32>
    %reduce_sum3A_104 = vector.multi_reduction <add>, %mul3A_102, %reduce_sum3A_103 [1] : vector<512x17xf32> to vector<512xf32>
    %broadcast_in_dim3A_105 = vector.shape_cast %reduce_sum3A_104 : vector<512xf32> to vector<512x1xf32>
    %mul3A_106 = arith.mulf %get3A_3, %get3A_3 : vector<512x17xf32>
    %reduce_sum3A_107 = arith.constant dense<0.000000e+00> : vector<512xf32>
    %reduce_sum3A_108 = vector.multi_reduction <add>, %mul3A_106, %reduce_sum3A_107 [1] : vector<512x17xf32> to vector<512xf32>
    %broadcast_in_dim3A_109 = vector.shape_cast %reduce_sum3A_108 : vector<512xf32> to vector<512x1xf32>
    %mul3A_110 = arith.constant 1.700000e+01 : f32
    %mul3A_111 = vector.broadcast %mul3A_110 : f32 to vector<512x1xf32>
    %mul3A_112 = arith.mulf %mul3A_111, %broadcast_in_dim3A_105 : vector<512x1xf32>
    %mul3A_113 = arith.mulf %broadcast_in_dim3A_98, %broadcast_in_dim3A_101 : vector<512x1xf32>
    %sub3A_114 = arith.subf %mul3A_112, %mul3A_113 : vector<512x1xf32>
    %mul3A_115 = arith.constant 1.700000e+01 : f32
    %mul3A_116 = vector.broadcast %mul3A_115 : f32 to vector<512x1xf32>
    %mul3A_117 = arith.mulf %mul3A_116, %broadcast_in_dim3A_109 : vector<512x1xf32>
    %mul3A_118 = arith.mulf %broadcast_in_dim3A_98, %broadcast_in_dim3A_98 : vector<512x1xf32>
    %sub3A_119 = arith.subf %mul3A_117, %mul3A_118 : vector<512x1xf32>
    %add3A_120 = arith.constant 9.99999993E-9 : f32
    %add3A_121 = vector.broadcast %add3A_120 : f32 to vector<512x1xf32>
    %add3A_122 = arith.addf %sub3A_119, %add3A_121 : vector<512x1xf32>
    %div3A_123 = arith.divf %sub3A_114, %add3A_122 : vector<512x1xf32>
    %div3A_124 = arith.constant 1.700000e+01 : f32
    %div3A_125 = vector.broadcast %div3A_124 : f32 to vector<512x1xf32>
    %div3A_126 = arith.divf %broadcast_in_dim3A_98, %div3A_125 : vector<512x1xf32>
    %sub3A_127 = vector.broadcast %div3A_126 : vector<512x1xf32> to vector<512x17xf32>
    %sub3A_128 = arith.subf %get3A_3, %sub3A_127 : vector<512x17xf32>
    %div3A_129 = arith.constant 1.700000e+01 : f32
    %div3A_130 = vector.broadcast %div3A_129 : f32 to vector<512x1xf32>
    %div3A_131 = arith.divf %broadcast_in_dim3A_101, %div3A_130 : vector<512x1xf32>
    %sub3A_132 = vector.broadcast %div3A_131 : vector<512x1xf32> to vector<512x17xf32>
    %sub3A_133 = arith.subf %get3A_8, %sub3A_132 : vector<512x17xf32>
    %mul3A_134 = arith.mulf %sub3A_128, %sub3A_133 : vector<512x17xf32>
    %reduce_sum3A_135 = arith.constant dense<0.000000e+00> : vector<512xf32>
    %reduce_sum3A_136 = vector.multi_reduction <add>, %mul3A_134, %reduce_sum3A_135 [1] : vector<512x17xf32> to vector<512xf32>
    %broadcast_in_dim3A_137 = vector.shape_cast %reduce_sum3A_136 : vector<512xf32> to vector<512x1xf32>
    %mul3A_138 = arith.mulf %sub3A_128, %sub3A_128 : vector<512x17xf32>
    %reduce_sum3A_139 = arith.constant dense<0.000000e+00> : vector<512xf32>
    %reduce_sum3A_140 = vector.multi_reduction <add>, %mul3A_138, %reduce_sum3A_139 [1] : vector<512x17xf32> to vector<512xf32>
    %broadcast_in_dim3A_141 = vector.shape_cast %reduce_sum3A_140 : vector<512xf32> to vector<512x1xf32>
    %mul3A_142 = arith.mulf %sub3A_133, %sub3A_133 : vector<512x17xf32>
    %reduce_sum3A_143 = arith.constant dense<0.000000e+00> : vector<512xf32>
    %reduce_sum3A_144 = vector.multi_reduction <add>, %mul3A_142, %reduce_sum3A_143 [1] : vector<512x17xf32> to vector<512xf32>
    %broadcast_in_dim3A_145 = vector.shape_cast %reduce_sum3A_144 : vector<512xf32> to vector<512x1xf32>
    %mul3A_146 = arith.mulf %broadcast_in_dim3A_141, %broadcast_in_dim3A_145 : vector<512x1xf32>
    %sqrt3A_147 = math.sqrt %mul3A_146 : vector<512x1xf32>
    %add3A_148 = arith.constant 9.99999993E-9 : f32
    %add3A_149 = vector.broadcast %add3A_148 : f32 to vector<512x1xf32>
    %add3A_150 = arith.addf %sqrt3A_147, %add3A_149 : vector<512x1xf32>
    %div3A_151 = arith.divf %broadcast_in_dim3A_137, %add3A_150 : vector<512x1xf32>
    %concatenate3A_152 = tpu.concatenate %reduce_sum3A_95, %div3A_123, %div3A_151 in 1 : vector<512x64xf32>, vector<512x1xf32>, vector<512x1xf32> -> vector<512x66xf32>
    %dot_general3A_153 = arith.constant dense<0.000000e+00> : vector<512x64xf32>
    %dot_general3A_154 = tpu.matmul %concatenate3A_152, %get3A_46, %dot_general3A_153 {dimension_numbers = #tpu.dot_dimension_numbers<[1], [0], [0], [1], [0, 0, 1, 1], [], []>, transpose_lhs_hint = false} : vector<512x66xf32>, vector<66x64xf32>, vector<512x64xf32> -> vector<512x64xf32>
    %broadcast_in_dim3A_155 = vector.shape_cast %get3A_48 : vector<64xf32> to vector<1x64xf32>
    %add3A_156 = vector.broadcast %broadcast_in_dim3A_155 : vector<1x64xf32> to vector<512x64xf32>
    %add3A_157 = arith.addf %dot_general3A_154, %add3A_156 : vector<512x64xf32>
    %max3A_158 = arith.constant 0.000000e+00 : f32
    %max3A_159 = vector.broadcast %max3A_158 : f32 to vector<512x64xf32>
    %max3A_160 = arith.maximumf %add3A_157, %max3A_159 : vector<512x64xf32>
    %swap3A = arith.constant 0 : index
    %swap3A_161 = arith.constant 0 : index
    %swap3A_162 = arith.constant 0 : index
    %swap3A_163 = vector.load %arg17[%swap3A, %swap3A_161, %swap3A_162] : memref<1x512x64xf32, #tpu.memory_space<vmem>>, vector<1x512x64xf32>
    %swap3A_164 = vector.shape_cast %swap3A_163 : vector<1x512x64xf32> to vector<512x64xf32>
    %swap3A_165 = vector.shape_cast %max3A_160 : vector<512x64xf32> to vector<1x512x64xf32>
    tpu.vector_store %arg17[%swap3A, %swap3A_161, %swap3A_162], %swap3A_165 {strides = array<i32>} : memref<1x512x64xf32, #tpu.memory_space<vmem>>, vector<1x512x64xf32>,
    return
  }
  func.func @transform_0(%arg0: i32, %arg1: i32) -> (i32, i32, i32) {
    %c0_i32 = arith.constant 0 : i32
    %c0_i32_0 = arith.constant 0 : i32
    return %arg0, %arg1, %c0_i32 : i32, i32, i32
  }
  func.func @transform_1(%arg0: i32, %arg1: i32) -> (i32, i32, i32) {
    %c0_i32 = arith.constant 0 : i32
    %c0_i32_0 = arith.constant 0 : i32
    return %arg0, %arg1, %c0_i32 : i32, i32, i32
  }
  func.func @transform_2(%arg0: i32, %arg1: i32) -> (i32, i32, i32) {
    %c0_i32 = arith.constant 0 : i32
    %c0_i32_0 = arith.constant 0 : i32
    return %arg0, %c0_i32, %arg1 : i32, i32, i32
  }
  func.func @transform_3(%arg0: i32, %arg1: i32) -> (i32, i32, i32) {
    %c0_i32 = arith.constant 0 : i32
    %c0_i32_0 = arith.constant 0 : i32
    return %arg0, %c0_i32, %arg1 : i32, i32, i32
  }
  func.func @transform_4(%arg0: i32, %arg1: i32) -> (i32, i32, i32, i32) {
    %c0_i32 = arith.constant 0 : i32
    %c0_i32_0 = arith.constant 0 : i32
    %c0_i32_1 = arith.constant 0 : i32
    return %arg0, %c0_i32, %arg1, %c0_i32_0 : i32, i32, i32, i32
  }
  func.func @transform_5(%arg0: i32, %arg1: i32) -> (i32, i32) {
    %c0_i32 = arith.constant 0 : i32
    %c0_i32_0 = arith.constant 0 : i32
    %c0_i32_1 = arith.constant 0 : i32
    return %c0_i32, %c0_i32_0 : i32, i32
  }
  func.func @transform_6(%arg0: i32, %arg1: i32) -> (i32, i32) {
    %c0_i32 = arith.constant 0 : i32
    %c0_i32_0 = arith.constant 0 : i32
    %c0_i32_1 = arith.constant 0 : i32
    return %c0_i32, %c0_i32_0 : i32, i32
  }
  func.func @transform_7(%arg0: i32, %arg1: i32) -> i32 {
    %c0_i32 = arith.constant 0 : i32
    %c0_i32_0 = arith.constant 0 : i32
    return %c0_i32 : i32
  }
  func.func @transform_8(%arg0: i32, %arg1: i32) -> i32 {
    %c0_i32 = arith.constant 0 : i32
    %c0_i32_0 = arith.constant 0 : i32
    return %c0_i32 : i32
  }
  func.func @transform_9(%arg0: i32, %arg1: i32) -> i32 {
    %c0_i32 = arith.constant 0 : i32
    %c0_i32_0 = arith.constant 0 : i32
    return %c0_i32 : i32
  }
  func.func @transform_10(%arg0: i32, %arg1: i32) -> i32 {
    %c0_i32 = arith.constant 0 : i32
    %c0_i32_0 = arith.constant 0 : i32
    return %c0_i32 : i32
  }
  func.func @transform_11(%arg0: i32, %arg1: i32) -> (i32, i32) {
    %c0_i32 = arith.constant 0 : i32
    %c0_i32_0 = arith.constant 0 : i32
    %c0_i32_1 = arith.constant 0 : i32
    return %c0_i32, %c0_i32_0 : i32, i32
  }
  func.func @transform_12(%arg0: i32, %arg1: i32) -> i32 {
    %c0_i32 = arith.constant 0 : i32
    %c0_i32_0 = arith.constant 0 : i32
    return %c0_i32 : i32
  }
  func.func @transform_13(%arg0: i32, %arg1: i32) -> (i32, i32) {
    %c0_i32 = arith.constant 0 : i32
    %c0_i32_0 = arith.constant 0 : i32
    %c0_i32_1 = arith.constant 0 : i32
    return %c0_i32, %c0_i32_0 : i32, i32
  }
  func.func @transform_14(%arg0: i32, %arg1: i32) -> i32 {
    %c0_i32 = arith.constant 0 : i32
    %c0_i32_0 = arith.constant 0 : i32
    return %c0_i32 : i32
  }
  func.func @transform_15(%arg0: i32, %arg1: i32) -> (i32, i32, i32) {
    %c0_i32 = arith.constant 0 : i32
    %c0_i32_0 = arith.constant 0 : i32
    return %arg0, %arg1, %c0_i32 : i32, i32, i32
  }
}

module attributes {stable_mosaic.version = 14 : i64} {
  func.func @_att1_kernel(%arg0: i32, %arg1: i32, %arg2: memref<1x512x17xf32, #tpu.memory_space<vmem>>, %arg3: memref<1x512x17xf32, #tpu.memory_space<vmem>>, %arg4: memref<1x17x512xf32, #tpu.memory_space<vmem>>, %arg5: memref<1x17x512xf32, #tpu.memory_space<vmem>>, %arg6: memref<1x17x512x64xf32, #tpu.memory_space<vmem>>, %arg7: memref<17x64xf32, #tpu.memory_space<vmem>>, %arg8: memref<17x64xf32, #tpu.memory_space<vmem>>, %arg9: memref<64xf32, #tpu.memory_space<vmem>>, %arg10: memref<64xf32, #tpu.memory_space<vmem>>, %arg11: memref<64xf32, #tpu.memory_space<vmem>>, %arg12: memref<64xf32, #tpu.memory_space<vmem>>, %arg13: memref<128x128xf32, #tpu.memory_space<vmem>>, %arg14: memref<128xf32, #tpu.memory_space<vmem>>, %arg15: memref<130x128xf32, #tpu.memory_space<vmem>>, %arg16: memref<128xf32, #tpu.memory_space<vmem>>, %arg17: memref<128x128xf32, #tpu.memory_space<vmem>>, %arg18: memref<128xf32, #tpu.memory_space<vmem>>, %arg19: memref<1x512x128xf32, #tpu.memory_space<vmem>>, %arg20: memref<1x512x128xf32, #tpu.memory_space<vmem>>) attributes {dimension_semantics = [#tpu.dimension_semantics<arbitrary>, #tpu.dimension_semantics<arbitrary>], iteration_bounds = array<i64: 4, 8>, scalar_prefetch = 0 : i64, scratch_operands = 0 : i64, tpu.core_type = #tpu.core_type<tc>, window_params = [{transform_indices = @transform_0, window_bounds = array<i64: 1, 512, 17>}, {transform_indices = @transform_1, window_bounds = array<i64: 1, 512, 17>}, {transform_indices = @transform_2, window_bounds = array<i64: 1, 17, 512>}, {transform_indices = @transform_3, window_bounds = array<i64: 1, 17, 512>}, {transform_indices = @transform_4, window_bounds = array<i64: 1, 17, 512, 64>}, {pipeline_mode = #tpu.pipeline_mode<synchronous>, transform_indices = @transform_5, window_bounds = array<i64: 17, 64>}, {pipeline_mode = #tpu.pipeline_mode<synchronous>, transform_indices = @transform_6, window_bounds = array<i64: 17, 64>}, {pipeline_mode = #tpu.pipeline_mode<synchronous>, transform_indices = @transform_7, window_bounds = array<i64: 64>}, {pipeline_mode = #tpu.pipeline_mode<synchronous>, transform_indices = @transform_8, window_bounds = array<i64: 64>}, {pipeline_mode = #tpu.pipeline_mode<synchronous>, transform_indices = @transform_9, window_bounds = array<i64: 64>}, {pipeline_mode = #tpu.pipeline_mode<synchronous>, transform_indices = @transform_10, window_bounds = array<i64: 64>}, {pipeline_mode = #tpu.pipeline_mode<synchronous>, transform_indices = @transform_11, window_bounds = array<i64: 128, 128>}, {pipeline_mode = #tpu.pipeline_mode<synchronous>, transform_indices = @transform_12, window_bounds = array<i64: 128>}, {pipeline_mode = #tpu.pipeline_mode<synchronous>, transform_indices = @transform_13, window_bounds = array<i64: 130, 128>}, {pipeline_mode = #tpu.pipeline_mode<synchronous>, transform_indices = @transform_14, window_bounds = array<i64: 128>}, {pipeline_mode = #tpu.pipeline_mode<synchronous>, transform_indices = @transform_15, window_bounds = array<i64: 128, 128>}, {pipeline_mode = #tpu.pipeline_mode<synchronous>, transform_indices = @transform_16, window_bounds = array<i64: 128>}, {transform_indices = @transform_17, window_bounds = array<i64: 1, 512, 128>}, {transform_indices = @transform_18, window_bounds = array<i64: 1, 512, 128>}]} {
    %get3A = arith.constant 0 : index
    %get3A_0 = arith.constant 0 : index
    %get3A_1 = arith.constant 0 : index
    %get3A_2 = vector.load %arg2[%get3A, %get3A_0, %get3A_1] : memref<1x512x17xf32, #tpu.memory_space<vmem>>, vector<1x512x17xf32>
    %get3A_3 = vector.shape_cast %get3A_2 : vector<1x512x17xf32> to vector<512x17xf32>
    %get3A_4 = arith.constant 0 : index
    %get3A_5 = arith.constant 0 : index
    %get3A_6 = arith.constant 0 : index
    %get3A_7 = vector.load %arg3[%get3A_4, %get3A_5, %get3A_6] : memref<1x512x17xf32, #tpu.memory_space<vmem>>, vector<1x512x17xf32>
    %get3A_8 = vector.shape_cast %get3A_7 : vector<1x512x17xf32> to vector<512x17xf32>
    %get3A_9 = arith.constant 0 : index
    %get3A_10 = arith.constant 0 : index
    %get3A_11 = arith.constant 0 : index
    %get3A_12 = vector.load %arg4[%get3A_9, %get3A_10, %get3A_11] : memref<1x17x512xf32, #tpu.memory_space<vmem>>, vector<1x17x512xf32>
    %get3A_13 = vector.shape_cast %get3A_12 : vector<1x17x512xf32> to vector<17x512xf32>
    %get3A_14 = arith.constant 0 : index
    %get3A_15 = arith.constant 0 : index
    %get3A_16 = arith.constant 0 : index
    %get3A_17 = vector.load %arg5[%get3A_14, %get3A_15, %get3A_16] : memref<1x17x512xf32, #tpu.memory_space<vmem>>, vector<1x17x512xf32>
    %get3A_18 = vector.shape_cast %get3A_17 : vector<1x17x512xf32> to vector<17x512xf32>
    %get3A_19 = arith.constant 0 : index
    %get3A_20 = arith.constant 0 : index
    %get3A_21 = arith.constant 0 : index
    %get3A_22 = arith.constant 0 : index
    %get3A_23 = vector.load %arg6[%get3A_19, %get3A_20, %get3A_21, %get3A_22] : memref<1x17x512x64xf32, #tpu.memory_space<vmem>>, vector<1x17x512x64xf32>
    %get3A_24 = vector.shape_cast %get3A_23 : vector<1x17x512x64xf32> to vector<17x512x64xf32>
    %get3A_25 = arith.constant 0 : index
    %get3A_26 = arith.constant 0 : index
    %get3A_27 = vector.load %arg7[%get3A_25, %get3A_26] : memref<17x64xf32, #tpu.memory_space<vmem>>, vector<17x64xf32>
    %get3A_28 = arith.constant 0 : index
    %get3A_29 = arith.constant 0 : index
    %get3A_30 = vector.load %arg8[%get3A_28, %get3A_29] : memref<17x64xf32, #tpu.memory_space<vmem>>, vector<17x64xf32>
    %get3A_31 = arith.constant 0 : index
    %get3A_32 = vector.load %arg9[%get3A_31] : memref<64xf32, #tpu.memory_space<vmem>>, vector<64xf32>
    %get3A_33 = arith.constant 0 : index
    %get3A_34 = vector.load %arg10[%get3A_33] : memref<64xf32, #tpu.memory_space<vmem>>, vector<64xf32>
    %get3A_35 = arith.constant 0 : index
    %get3A_36 = vector.load %arg11[%get3A_35] : memref<64xf32, #tpu.memory_space<vmem>>, vector<64xf32>
    %get3A_37 = arith.constant 0 : index
    %get3A_38 = vector.load %arg12[%get3A_37] : memref<64xf32, #tpu.memory_space<vmem>>, vector<64xf32>
    %get3A_39 = arith.constant 0 : index
    %get3A_40 = arith.constant 0 : index
    %get3A_41 = vector.load %arg13[%get3A_39, %get3A_40] : memref<128x128xf32, #tpu.memory_space<vmem>>, vector<128x128xf32>
    %get3A_42 = arith.constant 0 : index
    %get3A_43 = vector.load %arg14[%get3A_42] : memref<128xf32, #tpu.memory_space<vmem>>, vector<128xf32>
    %get3A_44 = arith.constant 0 : index
    %get3A_45 = arith.constant 0 : index
    %get3A_46 = vector.load %arg15[%get3A_44, %get3A_45] : memref<130x128xf32, #tpu.memory_space<vmem>>, vector<130x128xf32>
    %get3A_47 = arith.constant 0 : index
    %get3A_48 = vector.load %arg16[%get3A_47] : memref<128xf32, #tpu.memory_space<vmem>>, vector<128xf32>
    %dot_general3A = arith.constant dense<0.000000e+00> : vector<512x64xf32>
    %dot_general3A_49 = tpu.matmul %get3A_3, %get3A_27, %dot_general3A {dimension_numbers = #tpu.dot_dimension_numbers<[1], [0], [0], [1], [0, 0, 1, 1], [], []>, transpose_lhs_hint = false} : vector<512x17xf32>, vector<17x64xf32>, vector<512x64xf32> -> vector<512x64xf32>
    %dot_general3A_50 = arith.constant dense<0.000000e+00> : vector<512x64xf32>
    %dot_general3A_51 = tpu.matmul %get3A_8, %get3A_30, %dot_general3A_50 {dimension_numbers = #tpu.dot_dimension_numbers<[1], [0], [0], [1], [0, 0, 1, 1], [], []>, transpose_lhs_hint = false} : vector<512x17xf32>, vector<17x64xf32>, vector<512x64xf32> -> vector<512x64xf32>
    %add3A = arith.addf %dot_general3A_49, %dot_general3A_51 : vector<512x64xf32>
    %broadcast_in_dim3A = vector.shape_cast %get3A_38 : vector<64xf32> to vector<1x64xf32>
    %add3A_52 = vector.broadcast %broadcast_in_dim3A : vector<1x64xf32> to vector<512x64xf32>
    %add3A_53 = arith.addf %add3A, %add3A_52 : vector<512x64xf32>
    %mul3A = arith.mulf %get3A_13, %get3A_13 : vector<17x512xf32>
    %mul3A_54 = arith.mulf %get3A_18, %get3A_18 : vector<17x512xf32>
    %add3A_55 = arith.addf %mul3A, %mul3A_54 : vector<17x512xf32>
    %add3A_56 = arith.constant 9.99999996E-13 : f32
    %add3A_57 = vector.broadcast %add3A_56 : f32 to vector<17x512xf32>
    %add3A_58 = arith.addf %add3A_55, %add3A_57 : vector<17x512xf32>
    %sqrt3A = math.sqrt %add3A_58 : vector<17x512xf32>
    %broadcast_in_dim3A_59 = vector.shape_cast %add3A_53 : vector<512x64xf32> to vector<1x512x64xf32>
    %broadcast_in_dim3A_60 = vector.shape_cast %get3A_13 : vector<17x512xf32> to vector<17x512x1xf32>
    %broadcast_in_dim3A_61 = vector.shape_cast %get3A_34 : vector<64xf32> to vector<1x1x64xf32>
    %mul3A_62 = vector.broadcast %broadcast_in_dim3A_60 : vector<17x512x1xf32> to vector<17x512x64xf32>
    %mul3A_63 = vector.broadcast %broadcast_in_dim3A_61 : vector<1x1x64xf32> to vector<17x512x64xf32>
    %mul3A_64 = arith.mulf %mul3A_62, %mul3A_63 : vector<17x512x64xf32>
    %add3A_65 = vector.broadcast %broadcast_in_dim3A_59 : vector<1x512x64xf32> to vector<17x512x64xf32>
    %add3A_66 = arith.addf %add3A_65, %mul3A_64 : vector<17x512x64xf32>
    %broadcast_in_dim3A_67 = vector.shape_cast %get3A_18 : vector<17x512xf32> to vector<17x512x1xf32>
    %broadcast_in_dim3A_68 = vector.shape_cast %get3A_36 : vector<64xf32> to vector<1x1x64xf32>
    %mul3A_69 = vector.broadcast %broadcast_in_dim3A_67 : vector<17x512x1xf32> to vector<17x512x64xf32>
    %mul3A_70 = vector.broadcast %broadcast_in_dim3A_68 : vector<1x1x64xf32> to vector<17x512x64xf32>
    %mul3A_71 = arith.mulf %mul3A_69, %mul3A_70 : vector<17x512x64xf32>
    %add3A_72 = arith.addf %add3A_66, %mul3A_71 : vector<17x512x64xf32>
    %broadcast_in_dim3A_73 = vector.shape_cast %sqrt3A : vector<17x512xf32> to vector<17x512x1xf32>
    %broadcast_in_dim3A_74 = vector.shape_cast %get3A_32 : vector<64xf32> to vector<1x1x64xf32>
    %mul3A_75 = vector.broadcast %broadcast_in_dim3A_73 : vector<17x512x1xf32> to vector<17x512x64xf32>
    %mul3A_76 = vector.broadcast %broadcast_in_dim3A_74 : vector<1x1x64xf32> to vector<17x512x64xf32>
    %mul3A_77 = arith.mulf %mul3A_75, %mul3A_76 : vector<17x512x64xf32>
    %add3A_78 = arith.addf %add3A_72, %mul3A_77 : vector<17x512x64xf32>
    %max3A = arith.constant 0.000000e+00 : f32
    %max3A_79 = vector.broadcast %max3A : f32 to vector<17x512x64xf32>
    %max3A_80 = arith.maximumf %add3A_78, %max3A_79 : vector<17x512x64xf32>
    %concatenate3A = tpu.concatenate %get3A_24, %max3A_80 in 2 : vector<17x512x64xf32>, vector<17x512x64xf32> -> vector<17x512x128xf32>
    %reshape3A = vector.shape_cast %concatenate3A : vector<17x512x128xf32> to vector<8704x128xf32>
    %dot_general3A_81 = arith.constant dense<0.000000e+00> : vector<8704x128xf32>
    %dot_general3A_82 = tpu.matmul %reshape3A, %get3A_41, %dot_general3A_81 {dimension_numbers = #tpu.dot_dimension_numbers<[1], [0], [0], [1], [0, 0, 1, 1], [], []>, transpose_lhs_hint = false} : vector<8704x128xf32>, vector<128x128xf32>, vector<8704x128xf32> -> vector<8704x128xf32>
    %broadcast_in_dim3A_83 = vector.shape_cast %get3A_43 : vector<128xf32> to vector<1x128xf32>
    %add3A_84 = vector.broadcast %broadcast_in_dim3A_83 : vector<1x128xf32> to vector<8704x128xf32>
    %add3A_85 = arith.addf %dot_general3A_82, %add3A_84 : vector<8704x128xf32>
    %reduce_max3A = arith.constant dense<0xFF800000> : vector<8704xf32>
    %reduce_max3A_86 = vector.multi_reduction <maximumf>, %add3A_85, %reduce_max3A [1] : vector<8704x128xf32> to vector<8704xf32>
    %broadcast_in_dim3A_87 = vector.shape_cast %reduce_max3A_86 : vector<8704xf32> to vector<8704x1xf32>
    %sub3A = vector.broadcast %broadcast_in_dim3A_87 : vector<8704x1xf32> to vector<8704x128xf32>
    %sub3A_88 = arith.subf %add3A_85, %sub3A : vector<8704x128xf32>
    %exp3A = math.exp %sub3A_88 : vector<8704x128xf32>
    %reduce_sum3A = arith.constant dense<0.000000e+00> : vector<8704xf32>
    %reduce_sum3A_89 = vector.multi_reduction <add>, %exp3A, %reduce_sum3A [1] : vector<8704x128xf32> to vector<8704xf32>
    %broadcast_in_dim3A_90 = vector.shape_cast %reduce_sum3A_89 : vector<8704xf32> to vector<8704x1xf32>
    %div3A = vector.broadcast %broadcast_in_dim3A_90 : vector<8704x1xf32> to vector<8704x128xf32>
    %div3A_91 = arith.divf %exp3A, %div3A : vector<8704x128xf32>
    %reshape3A_92 = vector.shape_cast %div3A_91 : vector<8704x128xf32> to vector<17x512x128xf32>
    %mul3A_93 = arith.mulf %concatenate3A, %reshape3A_92 : vector<17x512x128xf32>
    %reduce_sum3A_94 = arith.constant dense<0.000000e+00> : vector<512x128xf32>
    %reduce_sum3A_95 = vector.multi_reduction <add>, %mul3A_93, %reduce_sum3A_94 [0] : vector<17x512x128xf32> to vector<512x128xf32>
    %reduce_sum3A_96 = arith.constant dense<0.000000e+00> : vector<512xf32>
    %reduce_sum3A_97 = vector.multi_reduction <add>, %get3A_3, %reduce_sum3A_96 [1] : vector<512x17xf32> to vector<512xf32>
    %broadcast_in_dim3A_98 = vector.shape_cast %reduce_sum3A_97 : vector<512xf32> to vector<512x1xf32>
    %reduce_sum3A_99 = arith.constant dense<0.000000e+00> : vector<512xf32>
    %reduce_sum3A_100 = vector.multi_reduction <add>, %get3A_8, %reduce_sum3A_99 [1] : vector<512x17xf32> to vector<512xf32>
    %broadcast_in_dim3A_101 = vector.shape_cast %reduce_sum3A_100 : vector<512xf32> to vector<512x1xf32>
    %mul3A_102 = arith.mulf %get3A_3, %get3A_8 : vector<512x17xf32>
    %reduce_sum3A_103 = arith.constant dense<0.000000e+00> : vector<512xf32>
    %reduce_sum3A_104 = vector.multi_reduction <add>, %mul3A_102, %reduce_sum3A_103 [1] : vector<512x17xf32> to vector<512xf32>
    %broadcast_in_dim3A_105 = vector.shape_cast %reduce_sum3A_104 : vector<512xf32> to vector<512x1xf32>
    %mul3A_106 = arith.mulf %get3A_3, %get3A_3 : vector<512x17xf32>
    %reduce_sum3A_107 = arith.constant dense<0.000000e+00> : vector<512xf32>
    %reduce_sum3A_108 = vector.multi_reduction <add>, %mul3A_106, %reduce_sum3A_107 [1] : vector<512x17xf32> to vector<512xf32>
    %broadcast_in_dim3A_109 = vector.shape_cast %reduce_sum3A_108 : vector<512xf32> to vector<512x1xf32>
    %mul3A_110 = arith.constant 1.700000e+01 : f32
    %mul3A_111 = vector.broadcast %mul3A_110 : f32 to vector<512x1xf32>
    %mul3A_112 = arith.mulf %mul3A_111, %broadcast_in_dim3A_105 : vector<512x1xf32>
    %mul3A_113 = arith.mulf %broadcast_in_dim3A_98, %broadcast_in_dim3A_101 : vector<512x1xf32>
    %sub3A_114 = arith.subf %mul3A_112, %mul3A_113 : vector<512x1xf32>
    %mul3A_115 = arith.constant 1.700000e+01 : f32
    %mul3A_116 = vector.broadcast %mul3A_115 : f32 to vector<512x1xf32>
    %mul3A_117 = arith.mulf %mul3A_116, %broadcast_in_dim3A_109 : vector<512x1xf32>
    %mul3A_118 = arith.mulf %broadcast_in_dim3A_98, %broadcast_in_dim3A_98 : vector<512x1xf32>
    %sub3A_119 = arith.subf %mul3A_117, %mul3A_118 : vector<512x1xf32>
    %add3A_120 = arith.constant 9.99999993E-9 : f32
    %add3A_121 = vector.broadcast %add3A_120 : f32 to vector<512x1xf32>
    %add3A_122 = arith.addf %sub3A_119, %add3A_121 : vector<512x1xf32>
    %div3A_123 = arith.divf %sub3A_114, %add3A_122 : vector<512x1xf32>
    %div3A_124 = arith.constant 1.700000e+01 : f32
    %div3A_125 = vector.broadcast %div3A_124 : f32 to vector<512x1xf32>
    %div3A_126 = arith.divf %broadcast_in_dim3A_98, %div3A_125 : vector<512x1xf32>
    %sub3A_127 = vector.broadcast %div3A_126 : vector<512x1xf32> to vector<512x17xf32>
    %sub3A_128 = arith.subf %get3A_3, %sub3A_127 : vector<512x17xf32>
    %div3A_129 = arith.constant 1.700000e+01 : f32
    %div3A_130 = vector.broadcast %div3A_129 : f32 to vector<512x1xf32>
    %div3A_131 = arith.divf %broadcast_in_dim3A_101, %div3A_130 : vector<512x1xf32>
    %sub3A_132 = vector.broadcast %div3A_131 : vector<512x1xf32> to vector<512x17xf32>
    %sub3A_133 = arith.subf %get3A_8, %sub3A_132 : vector<512x17xf32>
    %mul3A_134 = arith.mulf %sub3A_128, %sub3A_133 : vector<512x17xf32>
    %reduce_sum3A_135 = arith.constant dense<0.000000e+00> : vector<512xf32>
    %reduce_sum3A_136 = vector.multi_reduction <add>, %mul3A_134, %reduce_sum3A_135 [1] : vector<512x17xf32> to vector<512xf32>
    %broadcast_in_dim3A_137 = vector.shape_cast %reduce_sum3A_136 : vector<512xf32> to vector<512x1xf32>
    %mul3A_138 = arith.mulf %sub3A_128, %sub3A_128 : vector<512x17xf32>
    %reduce_sum3A_139 = arith.constant dense<0.000000e+00> : vector<512xf32>
    %reduce_sum3A_140 = vector.multi_reduction <add>, %mul3A_138, %reduce_sum3A_139 [1] : vector<512x17xf32> to vector<512xf32>
    %broadcast_in_dim3A_141 = vector.shape_cast %reduce_sum3A_140 : vector<512xf32> to vector<512x1xf32>
    %mul3A_142 = arith.mulf %sub3A_133, %sub3A_133 : vector<512x17xf32>
    %reduce_sum3A_143 = arith.constant dense<0.000000e+00> : vector<512xf32>
    %reduce_sum3A_144 = vector.multi_reduction <add>, %mul3A_142, %reduce_sum3A_143 [1] : vector<512x17xf32> to vector<512xf32>
    %broadcast_in_dim3A_145 = vector.shape_cast %reduce_sum3A_144 : vector<512xf32> to vector<512x1xf32>
    %mul3A_146 = arith.mulf %broadcast_in_dim3A_141, %broadcast_in_dim3A_145 : vector<512x1xf32>
    %sqrt3A_147 = math.sqrt %mul3A_146 : vector<512x1xf32>
    %add3A_148 = arith.constant 9.99999993E-9 : f32
    %add3A_149 = vector.broadcast %add3A_148 : f32 to vector<512x1xf32>
    %add3A_150 = arith.addf %sqrt3A_147, %add3A_149 : vector<512x1xf32>
    %div3A_151 = arith.divf %broadcast_in_dim3A_137, %add3A_150 : vector<512x1xf32>
    %concatenate3A_152 = tpu.concatenate %reduce_sum3A_95, %div3A_123, %div3A_151 in 1 : vector<512x128xf32>, vector<512x1xf32>, vector<512x1xf32> -> vector<512x130xf32>
    %dot_general3A_153 = arith.constant dense<0.000000e+00> : vector<512x128xf32>
    %dot_general3A_154 = tpu.matmul %concatenate3A_152, %get3A_46, %dot_general3A_153 {dimension_numbers = #tpu.dot_dimension_numbers<[1], [0], [0], [1], [0, 0, 1, 1], [], []>, transpose_lhs_hint = false} : vector<512x130xf32>, vector<130x128xf32>, vector<512x128xf32> -> vector<512x128xf32>
    %broadcast_in_dim3A_155 = vector.shape_cast %get3A_48 : vector<128xf32> to vector<1x128xf32>
    %add3A_156 = vector.broadcast %broadcast_in_dim3A_155 : vector<1x128xf32> to vector<512x128xf32>
    %add3A_157 = arith.addf %dot_general3A_154, %add3A_156 : vector<512x128xf32>
    %max3A_158 = arith.constant 0.000000e+00 : f32
    %max3A_159 = vector.broadcast %max3A_158 : f32 to vector<512x128xf32>
    %max3A_160 = arith.maximumf %add3A_157, %max3A_159 : vector<512x128xf32>
    %get3A_161 = arith.constant 0 : index
    %get3A_162 = arith.constant 0 : index
    %get3A_163 = vector.load %arg17[%get3A_161, %get3A_162] : memref<128x128xf32, #tpu.memory_space<vmem>>, vector<128x128xf32>
    %dot_general3A_164 = arith.constant dense<0.000000e+00> : vector<512x128xf32>
    %dot_general3A_165 = tpu.matmul %max3A_160, %get3A_163, %dot_general3A_164 {dimension_numbers = #tpu.dot_dimension_numbers<[1], [0], [0], [1], [0, 0, 1, 1], [], []>, transpose_lhs_hint = false} : vector<512x128xf32>, vector<128x128xf32>, vector<512x128xf32> -> vector<512x128xf32>
    %get3A_166 = arith.constant 0 : index
    %get3A_167 = vector.load %arg18[%get3A_166] : memref<128xf32, #tpu.memory_space<vmem>>, vector<128xf32>
    %broadcast_in_dim3A_168 = vector.shape_cast %get3A_167 : vector<128xf32> to vector<1x128xf32>
    %add3A_169 = vector.broadcast %broadcast_in_dim3A_168 : vector<1x128xf32> to vector<512x128xf32>
    %add3A_170 = arith.addf %dot_general3A_165, %add3A_169 : vector<512x128xf32>
    %max3A_171 = arith.constant 0.000000e+00 : f32
    %max3A_172 = vector.broadcast %max3A_171 : f32 to vector<512x128xf32>
    %max3A_173 = arith.maximumf %add3A_170, %max3A_172 : vector<512x128xf32>
    %get3A_174 = arith.constant 0 : index
    %get3A_175 = arith.constant 0 : index
    %get3A_176 = arith.constant 0 : index
    %get3A_177 = vector.load %arg19[%get3A_174, %get3A_175, %get3A_176] : memref<1x512x128xf32, #tpu.memory_space<vmem>>, vector<1x512x128xf32>
    %get3A_178 = vector.shape_cast %get3A_177 : vector<1x512x128xf32> to vector<512x128xf32>
    %add3A_179 = arith.addf %max3A_173, %get3A_178 : vector<512x128xf32>
    %ge3A = arith.constant 0.000000e+00 : f32
    %ge3A_180 = vector.broadcast %ge3A : f32 to vector<512x128xf32>
    %ge3A_181 = arith.cmpf oge, %add3A_179, %ge3A_180 : vector<512x128xf32>
    %mul3A_182 = arith.constant 2.000000e-01 : f32
    %mul3A_183 = vector.broadcast %mul3A_182 : f32 to vector<512x128xf32>
    %mul3A_184 = arith.mulf %mul3A_183, %add3A_179 : vector<512x128xf32>
    %select_n3A = arith.select %ge3A_181, %add3A_179, %mul3A_184 : vector<512x128xi1>, vector<512x128xf32>
    %swap3A = arith.constant 0 : index
    %swap3A_185 = arith.constant 0 : index
    %swap3A_186 = arith.constant 0 : index
    %swap3A_187 = vector.load %arg20[%swap3A, %swap3A_185, %swap3A_186] : memref<1x512x128xf32, #tpu.memory_space<vmem>>, vector<1x512x128xf32>
    %swap3A_188 = vector.shape_cast %swap3A_187 : vector<1x512x128xf32> to vector<512x128xf32>
    %swap3A_189 = vector.shape_cast %select_n3A : vector<512x128xf32> to vector<1x512x128xf32>
    tpu.vector_store %arg20[%swap3A, %swap3A_185, %swap3A_186], %swap3A_189 {strides = array<i32>} : memref<1x512x128xf32, #tpu.memory_space<vmem>>, vector<1x512x128xf32>,
    return
  }
  func.func @transform_0(%arg0: i32, %arg1: i32) -> (i32, i32, i32) {
    %c0_i32 = arith.constant 0 : i32
    %c0_i32_0 = arith.constant 0 : i32
    return %arg0, %arg1, %c0_i32 : i32, i32, i32
  }
  func.func @transform_1(%arg0: i32, %arg1: i32) -> (i32, i32, i32) {
    %c0_i32 = arith.constant 0 : i32
    %c0_i32_0 = arith.constant 0 : i32
    return %arg0, %arg1, %c0_i32 : i32, i32, i32
  }
  func.func @transform_2(%arg0: i32, %arg1: i32) -> (i32, i32, i32) {
    %c0_i32 = arith.constant 0 : i32
    %c0_i32_0 = arith.constant 0 : i32
    return %arg0, %c0_i32, %arg1 : i32, i32, i32
  }
  func.func @transform_3(%arg0: i32, %arg1: i32) -> (i32, i32, i32) {
    %c0_i32 = arith.constant 0 : i32
    %c0_i32_0 = arith.constant 0 : i32
    return %arg0, %c0_i32, %arg1 : i32, i32, i32
  }
  func.func @transform_4(%arg0: i32, %arg1: i32) -> (i32, i32, i32, i32) {
    %c0_i32 = arith.constant 0 : i32
    %c0_i32_0 = arith.constant 0 : i32
    %c0_i32_1 = arith.constant 0 : i32
    return %arg0, %c0_i32, %arg1, %c0_i32_0 : i32, i32, i32, i32
  }
  func.func @transform_5(%arg0: i32, %arg1: i32) -> (i32, i32) {
    %c0_i32 = arith.constant 0 : i32
    %c0_i32_0 = arith.constant 0 : i32
    %c0_i32_1 = arith.constant 0 : i32
    return %c0_i32, %c0_i32_0 : i32, i32
  }
  func.func @transform_6(%arg0: i32, %arg1: i32) -> (i32, i32) {
    %c0_i32 = arith.constant 0 : i32
    %c0_i32_0 = arith.constant 0 : i32
    %c0_i32_1 = arith.constant 0 : i32
    return %c0_i32, %c0_i32_0 : i32, i32
  }
  func.func @transform_7(%arg0: i32, %arg1: i32) -> i32 {
    %c0_i32 = arith.constant 0 : i32
    %c0_i32_0 = arith.constant 0 : i32
    return %c0_i32 : i32
  }
  func.func @transform_8(%arg0: i32, %arg1: i32) -> i32 {
    %c0_i32 = arith.constant 0 : i32
    %c0_i32_0 = arith.constant 0 : i32
    return %c0_i32 : i32
  }
  func.func @transform_9(%arg0: i32, %arg1: i32) -> i32 {
    %c0_i32 = arith.constant 0 : i32
    %c0_i32_0 = arith.constant 0 : i32
    return %c0_i32 : i32
  }
  func.func @transform_10(%arg0: i32, %arg1: i32) -> i32 {
    %c0_i32 = arith.constant 0 : i32
    %c0_i32_0 = arith.constant 0 : i32
    return %c0_i32 : i32
  }
  func.func @transform_11(%arg0: i32, %arg1: i32) -> (i32, i32) {
    %c0_i32 = arith.constant 0 : i32
    %c0_i32_0 = arith.constant 0 : i32
    %c0_i32_1 = arith.constant 0 : i32
    return %c0_i32, %c0_i32_0 : i32, i32
  }
  func.func @transform_12(%arg0: i32, %arg1: i32) -> i32 {
    %c0_i32 = arith.constant 0 : i32
    %c0_i32_0 = arith.constant 0 : i32
    return %c0_i32 : i32
  }
  func.func @transform_13(%arg0: i32, %arg1: i32) -> (i32, i32) {
    %c0_i32 = arith.constant 0 : i32
    %c0_i32_0 = arith.constant 0 : i32
    %c0_i32_1 = arith.constant 0 : i32
    return %c0_i32, %c0_i32_0 : i32, i32
  }
  func.func @transform_14(%arg0: i32, %arg1: i32) -> i32 {
    %c0_i32 = arith.constant 0 : i32
    %c0_i32_0 = arith.constant 0 : i32
    return %c0_i32 : i32
  }
  func.func @transform_15(%arg0: i32, %arg1: i32) -> (i32, i32) {
    %c0_i32 = arith.constant 0 : i32
    %c0_i32_0 = arith.constant 0 : i32
    %c0_i32_1 = arith.constant 0 : i32
    return %c0_i32, %c0_i32_0 : i32, i32
  }
  func.func @transform_16(%arg0: i32, %arg1: i32) -> i32 {
    %c0_i32 = arith.constant 0 : i32
    %c0_i32_0 = arith.constant 0 : i32
    return %c0_i32 : i32
  }
  func.func @transform_17(%arg0: i32, %arg1: i32) -> (i32, i32, i32) {
    %c0_i32 = arith.constant 0 : i32
    %c0_i32_0 = arith.constant 0 : i32
    return %arg0, %arg1, %c0_i32 : i32, i32, i32
  }
  func.func @transform_18(%arg0: i32, %arg1: i32) -> (i32, i32, i32) {
    %c0_i32 = arith.constant 0 : i32
    %c0_i32_0 = arith.constant 0 : i32
    return %arg0, %arg1, %c0_i32 : i32, i32, i32
  }
}

</mosaic_0001>

<sc_bundles>
// kernel: kernel.10.cloned.1.call-start
scs
__scs_entry_jumppad:
0x0: {  	(pc) =	sbr.rel $0x88, $3  }
0x1: {  	(tag) =	ssettag $0x0;
	lr =	simm.s32 $0x1  }
0x2: {  	[smem:$0x3F8D] =	sst lr;
	_ =	strace $0xD0000000  }
0x3: {  	_ = 	snop  }
0x4: {  	_ = 	snop  }
0x5: {  	_ = 	snop  }
0x6: {  	_ = 	snop  }
0x7: {  	_ = 	snop  }
__scs_overlays_trampoline_lowered:
0x8: {  	[smem:$0x3F9C] =	sst s0  }
0x9: {  	[smem:$0x3F9D] =	sst s1  }
0xa: {  	[smem:$0x3F9E] =	sst s2  }
0xb: {  	[smem:$0x3F9F] =	sst s3  }
0xc: {  	[smem:$0x3FA0] =	sst s4  }
0xd: {  	[smem:$0x3FA1] =	sst s5  }
0xe: {  	[smem:$0x3FA2] =	sst s6  }
0xf: {  	[smem:$0x3FA3] =	sst s7  }
0x10: {  	[smem:$0x3FA4] =	sst s8  }
0x11: {  	[smem:$0x3FA5] =	sst s9;
	s0 =	simm.s32 @!p0 $0x0  }
0x12: {  	s1 =	sld [smem:$0x3F8B];
	s0 =	simm.s32 @p0 $0x1  }
0x13: {  	[smem:$0x3FA6] =	sst s0;
	s0 =	simm.s32 @!p1 $0x0  }
0x14: {  	s2 =	sld [smem:$0x3F8A];
	s0 =	simm.s32 @p1 $0x1  }
0x15: {  	[smem:$0x3FA7] =	sst s0;
	s0 =	simm.s32 @!p2 $0x0  }
0x16: {  	s3 =	sld [smem:$0x3FDB];
	s0 =	simm.s32 @p2 $0x1  }
0x17: {  	s4 =	simm.s32 $0x1BF5;
	[smem:$0x3FA9] =	sst s0  }
0x18: {  	s0 =	sld [smem:$0x3F8C];
	_ =	swait.ge [sflag:s4], $0x0  }
0x19: {  	s7 =	sld [smem:$0x3F8D]  }
0x1a: {  	s8 =	sadd.s32 $0xFFFFE003, lr  }
0x1b: {  	s9 =	sadd.s32 $0xFFFFFEF7, lr;
	s5 =	simm.s32 $0xFFFFFFFF;
	p2 =	slt.u32 s8, $0xFFFFF086  }
0x1c: {  	p1 =	slt.u32 s9, $0xF7A;
	s5 =	simm.s32 @!p2 $0x0  }
0x1d: {  	s5 =	simm.s32 @p1 $0x1;
	p0 =	seq.s32 s7, s2  }
0x1e: {  	s7 =	smul.u32 @!p0 $0xF7A, s2;
	p2 =	seq.s32 @!p0 s5, $0x0  }
0x1f: {  	s9 =	smul.u32 $0xF7A, s1;
	s8 =	simm.s32 @!p0 $0x1BF5;
	p2 =	por !p2, p0  }
0x20: {  	[sflag:s8] =	ssyncset.s32 @!p0 $0xFFFFF086;
	s6 =	sadd.s32 @!p0 s3, s7;
	s7 =	simm.s32 @!p0 $0x108  }
0x21: {  	s3 =	sadd.s32 s3, s9;
	s6 =	sadd.s32 @!p0 $0x88, s6;
	s7 =	simm.s32 @p2 $0x1082  }
0x22: {  	[simem:s7], [sflag:s8] =	dma.local @!p0 [hbm:s6], $0xF7A  }
0x23: {  	s9 =	sor.u32 $0xD0000000, s2;
	s6 =	simm.s32 $0x108;
	_ =	swait.ge @!p0 [sflag:s8], $0x0  }
0x24: {  	s3 =	sadd.s32 $0x88, s3;
	s6 =	simm.s32 @!p1 $0x1082;
	[sflag:s4] =	ssyncset.s32 $0xFFFFF086  }
0x25: {  	[simem:s6], [sflag:s4] =	dma.local [hbm:s3], $0xF7A  }
0x26: {  	[smem:$0x3F8D] =	sst s1;
	(tag) =	ssettag s2;
	_ =	strace s9  }
0x27: {  	s1 =	sld [smem:$0x3F9D]  }
0x28: {  	s2 =	sld [smem:$0x3F9E]  }
0x29: {  	s4 =	sld [smem:$0x3FA0]  }
0x2a: {  	p0 =	seq.s32 s5, $0x0;
	s5 =	sld [smem:$0x3FA1]  }
0x2b: {  	s6 =	sld [smem:$0x3FA2]  }
0x2c: {  	s7 =	sld [smem:$0x3FA3]  }
0x2d: {  	s3 =	simm.s32 $0x108;
	s8 =	sld [smem:$0x3FA4]  }
0x2e: {  	s3 =	simm.s32 @!p0 $0x1082;
	s9 =	sld [smem:$0x3FA5]  }
0x2f: {  	lr =	sadd.s32 s0, s3;
	s0 =	sld [smem:$0x3F9C]  }
0x30: {  	s3 =	sld [smem:$0x3F9F]  }
0x31: {  	[smem:$0x3FA8] =	sst s10  }
0x32: {  	s10 =	sld [smem:$0x3FA6];
	_ =	sdelay $0x3  }
0x33: {  	p0 =	seq.s32 s10, $0x1;
	s10 =	sld [smem:$0x3FA8];
	_ =	sdelay $0x3  }
0x34: {  	[smem:$0x3FA8] =	sst s10  }
0x35: {  	s10 =	sld [smem:$0x3FA7];
	_ =	sdelay $0x3  }
0x36: {  	p1 =	seq.s32 s10, $0x1;
	s10 =	sld [smem:$0x3FA8];
	_ =	sdelay $0x3  }
0x37: {  	[smem:$0x3FA8] =	sst s10  }
0x38: {  	s10 =	sld [smem:$0x3FA9]  }
0x39: {  	_ = 	snop;
	(pc) =	sbr.ind lr, $3  }
0x3a: {  	_ = 	snop  }
0x3b: {  	_ = 	snop  }
0x3c: {  	p2 =	seq.s32 s10, $0x1;
	s10 =	sld [smem:$0x3FA8]  }
0x3d: {  	_ =	shalt  }
0x3e: {  	_ =	shalt  }
0x3f: {  	_ =	shalt  }
0x40: {  	_ =	shalt  }
0x41: {  	_ =	shalt  }
0x42: {  	_ =	shalt  }
0x43: {  	_ =	shalt  }
0x44: {  	_ =	shalt  }
0x45: {  	_ =	shalt  }
0x46: {  	_ =	shalt  }
0x47: {  	_ =	shalt  }
0x48: {  	_ =	shalt  }
0x49: {  	_ =	shalt  }
0x4a: {  	_ =	shalt  }
0x4b: {  	_ =	shalt  }
0x4c: {  	_ =	shalt  }
0x4d: {  	_ =	shalt  }
0x4e: {  	_ =	shalt  }
0x4f: {  	_ =	shalt  }
0x50: {  	_ =	shalt  }
0x51: {  	_ =	shalt  }
0x52: {  	_ =	shalt  }
0x53: {  	_ =	shalt  }
0x54: {  	_ =	shalt  }
0x55: {  	_ =	shalt  }
0x56: {  	_ =	shalt  }
0x57: {  	_ =	shalt  }
0x58: {  	_ =	shalt  }
0x59: {  	_ =	shalt  }
0x5a: {  	_ =	shalt  }
0x5b: {  	_ =	shalt  }
0x5c: {  	_ =	shalt  }
0x5d: {  	_ =	shalt  }
0x5e: {  	_ =	shalt  }
0x5f: {  	_ =	shalt  }
0x60: {  	_ =	shalt  }
0x61: {  	_ =	shalt  }
0x62: {  	_ =	shalt  }
0x63: {  	_ =	shalt  }
0x64: {  	_ =	shalt  }
0x65: {  	_ =	shalt  }
0x66: {  	_ =	shalt  }
0x67: {  	_ =	shalt  }
0x68: {  	_ =	shalt  }
0x69: {  	_ =	shalt  }
0x6a: {  	_ =	shalt  }
0x6b: {  	_ =	shalt  }
0x6c: {  	_ =	shalt  }
0x6d: {  	_ =	shalt  }
0x6e: {  	_ =	shalt  }
0x6f: {  	_ =	shalt  }
0x70: {  	_ =	shalt  }
0x71: {  	_ =	shalt  }
0x72: {  	_ =	shalt  }
0x73: {  	_ =	shalt  }
0x74: {  	_ =	shalt  }
0x75: {  	_ =	shalt  }
0x76: {  	_ =	shalt  }
0x77: {  	_ =	shalt  }
0x78: {  	_ =	shalt  }
0x79: {  	_ =	shalt  }
0x7a: {  	_ =	shalt  }
0x7b: {  	_ =	shalt  }
0x7c: {  	_ =	shalt  }
0x7d: {  	_ =	shalt  }
0x7e: {  	_ =	shalt  }
0x7f: {  	_ =	shalt  }
0x80: {  	_ =	shalt  }
0x81: {  	_ =	shalt  }
0x82: {  	_ =	shalt  }
0x83: {  	_ =	shalt  }
0x84: {  	_ =	shalt  }
0x85: {  	_ =	shalt  }
0x86: {  	_ =	shalt  }
0x87: {  	_ =	shalt  }
.Lfunc_end0:
.L_simem_size_0:
called_computation.1_lowered:
.L_overlay_start_0:
0x88: {  	s2 =	sld [smem:$0x3FD9]  }
0x89: {  	s3 =	sld [smem:$0x3FFE];
	_ =	sdelay $0x1  }
0x8a: {  	s1 =	srdreg.scid  }
0x8b: {  	s0 =	sand.u32 $0x1, s1  }
0x8c: {  	s16 =	sshll.u32 s0, $0xA;
	s2 =	sadd.s32 s3, s2  }
0x8d: {  	s2 =	sadd.s32 s2, s16  }
0x8e: {  	[smem:$0x3FB4] =	sst s2  }
0x8f: {  	_ = 	snop  }
0x90: {  	(tm) =	ssettm $0x1  }
0x91: {  	s17 =	sld [smem:$0x3FFB];
	_ =	sdelay $0x3  }
0x92: {  	_ =	strace s17  }
0x93: {  	s2 =	sld [smem:$0x3FFC];
	_ =	sdelay $0x3  }
0x94: {  	_ =	strace s2  }
0x95: {  	s2 =	sld [smem:$0x3FFD];
	_ =	sdelay $0x3  }
0x96: {  	_ =	strace s2  }
0x97: {  	_ =	strace $0x8FFFFFFF  }
0x98: {  	s18 =	sld [smem:$0x3FDB];
	_ =	sdelay $0x1  }
0x99: {  	s19 =	simm.s32 $_scs_section_size  }
0x9a: {  	s4 =	simm.s32 $_size__tile_overlayer_lowered;
	s5 =	simm.s32 $_tile_overlayer_lowered  }
0x9b: {  	s22 =	simm.s32 $0x1BFF;
	s21 =	sshll.u32 s5, $0x1;
	s2 =	sadd.s32 s19, s18  }
0x9c: {  	s6 =	simm.s32 $0x0;
	s20 =	sshll.u32 s4, $0x1;
	s4 =	sadd.s32 s21, s2  }
0x9d: {  	[timem:s6], [sflag:s22] =	dma.local [hbm:s4], s20  }
0x9e: {  	_ =	swait.ge [sflag:s22], s20  }
0x9f: {  	s3 =	ssub.s32 $0x0, s20;
	[sflag:s22] =	ssyncset.done $0x0  }
0xa0: {  	[sflag:s22] =	ssyncadd.s32 s3;
	_ =	sdelay $0x1  }
0xa1: {  	s23 =	simm.s32 $0x1B8B  }
0xa2: {  	_ =	swait.ge [sflag:s23], $0x1  }
0xa3: {  	[sflag:s23] =	ssyncset.done $0x0  }
0xa4: {  	s25 =	simm.s32 $0x1B8E;
	s24 =	sld [smem:$0x3FFE];
	[sflag:s23] =	ssyncadd.s32 $0xFFFFFFFF  }
0xa5: {  	s26 =	simm.s32 $execute0_lowered;
	[smem:$0x3FD2] =	sst s25  }
0xa6: {  	s4 =	sshll.u32 s26, $0x1;
	_ =	strace $0x80000049;
	[dreg:$0x1] =	wrdreg $0xFFFFFFFF  }
0xa7: {  	s28 =	simm.s32 $_size_execute0_lowered;
	s2 =	sadd.s32 s2, s4;
	[dreg:$0x0] =	wrdreg $0x0  }
0xa8: {  	s4 =	sshll.u32 s28, $0x1;
	[dreg:$0x2] =	wrdreg s2  }
0xa9: {  	[dreg:$0x3] =	wrdreg s4  }
0xaa: {  	[dreg:$0x4] =	wrdreg $0xC0  }
0xab: {  	_ =	task [dreg:s6], $0x5FFFF  }
0xac: {  	[dreg:$0x1] =	wrdreg $0xFFFFFFFF  }
0xad: {  	[dreg:$0x0] =	wrdreg $0x60  }
0xae: {  	[dreg:$0x2] =	wrdreg s24  }
0xaf: {  	[dreg:$0x3] =	wrdreg $0x9  }
0xb0: {  	_ =	task.clear_ibuf [dreg:s6], $0x4FFFF;
	_ =	strace $0x90000049  }
0xb1: {  	s29 =	simm.s32 $0x9;
	_ =	strace $0x8000004B  }
0xb2: {  	_ =	swait.ge [sflag:s29], $0x1  }
0xb3: {  	[sflag:s29] =	ssyncadd.s32 $0xFFFFFFFF  }
0xb4: {  	_ =	strace $0x9000004B  }
0xb5: {  	_ =	sfence  }
0xb6: {  	s30 =	sld [smem:$0x0];
	_ =	sdelay $0x2  }
0xb7: {  	s31 =	sshll.u32 s1, $0xD;
	s1 =	sshrl.u32 s1, $0x2  }
0xb8: {  	s3 =	sand.u32 $0x4000, s31;
	s1 =	sadd.s32 s1, s30  }
0xb9: {  	s0 =	sor.u32 s3, s0;
	s1 =	sshll.u32 s1, $0x11  }
0xba: {  	s0 =	sor.u32 s1, s0  }
0xbb: {  	s0 =	sadd.s32 $0x8F2B, s0  }
0xbc: {  	[sflag:s0] =	ssyncadd.remote.s32 $0x1  }
0xbd: {  	_ =	sfence.sel $0xFFFF  }
0xbe: {  	[dreg:$0x0] =	wrdreg $0xFFFFFFFF;
	(pc) =	sbr.abs _section_cstart, $3  }
0xbf: {  	[dreg:$0x1] =	wrdreg $0xFFFFFFFF  }
0xc0: {  	_ =	task.clear_ibuf [dreg:s6], $0x2FFFF;
	_ =	strace $0x9FFFFFFF  }
0xc1: {  	(tm) =	ssettm $0x7FFFFFFF  }
tec
execute0_lowered:
.L_overlay_start_1:
0x0: {  	(tag) =	ssettag $0x1  }
0x1: {  	s1 =	srdreg.scid;
	s0 =	stileid.u32  }
0x2: {  	s4 =	rddreg [dreg:$0x0];
	s2 =	simm.s32 $0x0;
	s10 =	simm.s32 $0x1  }
0x3: {  	s11 =	simm.s32 $0x0;
	s3 =	sand.u32 $0x1, s1;
	s1 =	rddreg [dreg:$0x1]  }
0x4: {  	s5 =	sshll.u32 s0, $0x1;
	[smem:$0x7FF] =	sst s2;
	s6 =	smul.u32 $0x22000, s0  }
0x5: {  	s5 =	sor.u32 s3, s5;
	s7 =	ssub.s32 $0x2, s3;
	s9 =	smul.u32 $0x11000, s3  }
0x6: {  	_ =	strace $0x8000004A;
	s5 =	smul.u32 $0x2200, s5;
	s8 =	sshrl.u32 s7, $0x1  }
0x7: {  	s3 =	sadd.s32 $0x1E00, s4;
	s6 =	sadd.s32 s6, s4;
	s7 =	ssub.s32 s7, s8  }
0x8: {  	s6 =	sadd.s32 s9, s6;
	s8 =	simm.s32 $0x80;
	s5 =	sshrl.u32 s5, $0x3  }
0x9: {  	s9 =	simm.s32 $0x2200;
	s6 =	sadd.s32 $0x101E00, s6;
	s5 =	sadd.s32 s5, s4  }
0xa: {  	s4 =	sadd.s32 $0x41E00, s5;
	s5 =	smax.u32 s7, $0x1;
	s7 =	simm.s32 $0x2  }
.LBB2_1:
0xb: {  	[tilespmem:s2], [sflag:$0x2] =	stream.linear.gather [hbm4b:s4+s2], $0x2200, $0x38;
	[tilespmem:$0x4200] =	vst v63  }
0xc: {  	_ =	swait.ge [sflag:s7], $0x2200  }
0xd: {  	[sflag:s7] =	ssyncset.done $0x0  }
0xe: {  	s12 =	simm.s32 $0x0;
	[sflag:s7] =	ssyncadd.s32 $0xFFFFDE00  }
0xf: {  	[tilespmem:s9], [sflag:$0x1] =	stream.indirect.gather [hbm4b:s3+s8], $0x40, s12, s8, $0xb8;
	[tilespmem:$0x4200] =	vst v63  }
0x10: {  	_ =	swait.ge [sflag:s10], $0x2000  }
0x11: {  	[sflag:s10] =	ssyncset.done $0x0  }
0x12: {  	[sflag:s10] =	ssyncadd.s32 $0xFFFFE000  }
0x13: {  	[hbm4b:s6+s2] =	stream.linear.scatter [tilespmem:s9], [sflag:$0x2], $0x2000, $0x38;
	[tilespmem:$0x4200] =	vst v63  }
0x14: {  	s13 =	simm.s32 $0x200;
	_ =	swait.ge [sflag:s7], $0x2000  }
0x15: {  	s14 =	simm.s32 $0x400;
	s12 =	sadd.s32 $0x400, s6;
	[sflag:s7] =	ssyncset.done $0x0  }
.LBB2_2:
0x16: {  	s15 =	sshra.s32 s13, $0x2  }
0x17: {  	[sflag:s7] =	ssyncadd.s32 $0xFFFFE000;
	s13 =	smov.u32 s14;
	s16 =	sadd.s32 $0x200, s14  }
0x18: {  	[tilespmem:s9], [sflag:$0x1] =	stream.indirect.gather [hbm4b:s3+s8], $0x40, s15, s8, $0xb8;
	[tilespmem:$0x4200] =	vst v63  }
0x19: {  	p0 =	sne.s32 s14, $0x8600;
	_ =	swait.ge [sflag:s10], $0x2000  }
.Ltmp0:
0x1a: {  	[sflag:s10] =	ssyncset.done $0x0;
	(pc) =	sbr.rel @p0 .LBB2_2-.Ltmp0, $4  }
0x1b: {  	[sflag:s10] =	ssyncadd.s32 $0xFFFFE000  }
0x1c: {  	[hbm4b:s12+s2] =	stream.linear.scatter [tilespmem:s9], [sflag:$0x2], $0x2000, $0x38;
	[tilespmem:$0x4200] =	vst v63  }
0x1d: {  	_ =	swait.ge [sflag:s7], $0x2000  }
0x1e: {  	s14 =	smov.u32 s16;
	s12 =	sadd.s32 $0x400, s12;
	[sflag:s7] =	ssyncset.done $0x0  }
0x1f: {  	s13 =	sshra.s32 s13, $0x2;
	[sflag:s7] =	ssyncadd.s32 $0xFFFFE000  }
0x20: {  	[tilespmem:s9], [sflag:$0x1] =	stream.indirect.gather [hbm4b:s3+s8], $0x40, s13, s8, $0xb8;
	[tilespmem:$0x4200] =	vst v63  }
0x21: {  	s11 =	sadd.s32 $0x1, s11;
	_ =	swait.ge [sflag:s10], $0x2000  }
0x22: {  	p0 =	sne.s32 s11, s5;
	[sflag:s10] =	ssyncset.done $0x0  }
.Ltmp1:
0x23: {  	[sflag:s10] =	ssyncadd.s32 $0xFFFFE000;
	(pc) =	sbr.rel @p0 .LBB2_1-.Ltmp1, $4  }
0x24: {  	[hbm4b:s12+s2] =	stream.linear.scatter [tilespmem:s9], [sflag:$0x2], $0x2000, $0x38;
	[tilespmem:$0x4200] =	vst v63  }
0x25: {  	_ =	swait.ge [sflag:s7], $0x2000  }
0x26: {  	[sflag:s7] =	ssyncset.done $0x0  }
0x27: {  	[sflag:s7] =	ssyncadd.s32 $0xFFFFE000  }
0x28: {  	_ =	sfence.sel $0x180000  }
0x29: {  	[bflag:$0x0] =	sbarrier.arrive $0xFFFF  }
0x2a: {  	p0 =	sne.s32 s0, $0x0;
	_ =	strace $0x9000004A  }
0x2b: {  	s0 =	sadd.s32 @!p0 $0x100000, s1;
	[bflag:$0x2] =	sbarrier.arrive $0xFFFF  }
0x2c: {  	[sflag:s0] =	ssyncadd.tile.s32 @!p0 $0x1;
	_ =	shalt  }
.Lfunc_end2:
_tile_overlayer_lowered:
.L_overlay_start_2:
0x2d: {  	(tag) =	ssettag $0x2  }
0x2e: {  	s0 =	rddreg [dreg:$0x0];
	s2 =	stileid.u32  }
0x2f: {  	s1 =	rddreg [dreg:$0x1];
	p0 =	sne.s32 s2, $0x0  }
0x30: {  	s3 =	rddreg [dreg:$0x2];
	[bflag:$0x3] =	sbarrier.arrive $0xFFFF;
	s2 =	simm.s32 @!p0 $0x1C02  }
0x31: {  	[timem:s3], [sflag:s2] =	dma.local @!p0 [hbm:s0], s1  }
0x32: {  	s0 =	simm.s32 @!p0 $0x2  }
0x33: {  	_ =	swait.ge @!p0 [sflag:s0], s1  }
0x34: {  	s1 =	ssub.s32 @!p0 $0x0, s1;
	[sflag:s0] =	ssyncset.done @!p0 $0x0  }
0x35: {  	[sflag:s0] =	ssyncadd.s32 @!p0 s1  }
0x36: {  	[bflag:$0x3] =	sbarrier.arrive $0xFFFF  }
0x37: {  	_ =	shalt  }

// kernel: kernel.7.cloned.1.call-start
scs
__scs_entry_jumppad:
0x0: {  	(pc) =	sbr.rel $0x88, $3  }
0x1: {  	(tag) =	ssettag $0x0;
	lr =	simm.s32 $0x1  }
0x2: {  	[smem:$0x3F8D] =	sst lr;
	_ =	strace $0xD0000000  }
0x3: {  	_ = 	snop  }
0x4: {  	_ = 	snop  }
0x5: {  	_ = 	snop  }
0x6: {  	_ = 	snop  }
0x7: {  	_ = 	snop  }
__scs_overlays_trampoline_lowered:
0x8: {  	[smem:$0x3F9C] =	sst s0  }
0x9: {  	[smem:$0x3F9D] =	sst s1  }
0xa: {  	[smem:$0x3F9E] =	sst s2  }
0xb: {  	[smem:$0x3F9F] =	sst s3  }
0xc: {  	[smem:$0x3FA0] =	sst s4  }
0xd: {  	[smem:$0x3FA1] =	sst s5  }
0xe: {  	[smem:$0x3FA2] =	sst s6  }
0xf: {  	[smem:$0x3FA3] =	sst s7  }
0x10: {  	[smem:$0x3FA4] =	sst s8  }
0x11: {  	[smem:$0x3FA5] =	sst s9;
	s0 =	simm.s32 @!p0 $0x0  }
0x12: {  	s1 =	sld [smem:$0x3F8B];
	s0 =	simm.s32 @p0 $0x1  }
0x13: {  	[smem:$0x3FA6] =	sst s0;
	s0 =	simm.s32 @!p1 $0x0  }
0x14: {  	s2 =	sld [smem:$0x3F8A];
	s0 =	simm.s32 @p1 $0x1  }
0x15: {  	[smem:$0x3FA7] =	sst s0;
	s0 =	simm.s32 @!p2 $0x0  }
0x16: {  	s3 =	sld [smem:$0x3FDB];
	s0 =	simm.s32 @p2 $0x1  }
0x17: {  	s4 =	simm.s32 $0x1BF5;
	[smem:$0x3FA9] =	sst s0  }
0x18: {  	s0 =	sld [smem:$0x3F8C];
	_ =	swait.ge [sflag:s4], $0x0  }
0x19: {  	s7 =	sld [smem:$0x3F8D]  }
0x1a: {  	s8 =	sadd.s32 $0xFFFFE003, lr  }
0x1b: {  	s9 =	sadd.s32 $0xFFFFFEF7, lr;
	s5 =	simm.s32 $0xFFFFFFFF;
	p2 =	slt.u32 s8, $0xFFFFF086  }
0x1c: {  	p1 =	slt.u32 s9, $0xF7A;
	s5 =	simm.s32 @!p2 $0x0  }
0x1d: {  	s5 =	simm.s32 @p1 $0x1;
	p0 =	seq.s32 s7, s2  }
0x1e: {  	s7 =	smul.u32 @!p0 $0xF7A, s2;
	p2 =	seq.s32 @!p0 s5, $0x0  }
0x1f: {  	s9 =	smul.u32 $0xF7A, s1;
	s8 =	simm.s32 @!p0 $0x1BF5;
	p2 =	por !p2, p0  }
0x20: {  	[sflag:s8] =	ssyncset.s32 @!p0 $0xFFFFF086;
	s6 =	sadd.s32 @!p0 s3, s7;
	s7 =	simm.s32 @!p0 $0x108  }
0x21: {  	s3 =	sadd.s32 s3, s9;
	s6 =	sadd.s32 @!p0 $0x88, s6;
	s7 =	simm.s32 @p2 $0x1082  }
0x22: {  	[simem:s7], [sflag:s8] =	dma.local @!p0 [hbm:s6], $0xF7A  }
0x23: {  	s9 =	sor.u32 $0xD0000000, s2;
	s6 =	simm.s32 $0x108;
	_ =	swait.ge @!p0 [sflag:s8], $0x0  }
0x24: {  	s3 =	sadd.s32 $0x88, s3;
	s6 =	simm.s32 @!p1 $0x1082;
	[sflag:s4] =	ssyncset.s32 $0xFFFFF086  }
0x25: {  	[simem:s6], [sflag:s4] =	dma.local [hbm:s3], $0xF7A  }
0x26: {  	[smem:$0x3F8D] =	sst s1;
	(tag) =	ssettag s2;
	_ =	strace s9  }
0x27: {  	s1 =	sld [smem:$0x3F9D]  }
0x28: {  	s2 =	sld [smem:$0x3F9E]  }
0x29: {  	s4 =	sld [smem:$0x3FA0]  }
0x2a: {  	p0 =	seq.s32 s5, $0x0;
	s5 =	sld [smem:$0x3FA1]  }
0x2b: {  	s6 =	sld [smem:$0x3FA2]  }
0x2c: {  	s7 =	sld [smem:$0x3FA3]  }
0x2d: {  	s3 =	simm.s32 $0x108;
	s8 =	sld [smem:$0x3FA4]  }
0x2e: {  	s3 =	simm.s32 @!p0 $0x1082;
	s9 =	sld [smem:$0x3FA5]  }
0x2f: {  	lr =	sadd.s32 s0, s3;
	s0 =	sld [smem:$0x3F9C]  }
0x30: {  	s3 =	sld [smem:$0x3F9F]  }
0x31: {  	[smem:$0x3FA8] =	sst s10  }
0x32: {  	s10 =	sld [smem:$0x3FA6];
	_ =	sdelay $0x3  }
0x33: {  	p0 =	seq.s32 s10, $0x1;
	s10 =	sld [smem:$0x3FA8];
	_ =	sdelay $0x3  }
0x34: {  	[smem:$0x3FA8] =	sst s10  }
0x35: {  	s10 =	sld [smem:$0x3FA7];
	_ =	sdelay $0x3  }
0x36: {  	p1 =	seq.s32 s10, $0x1;
	s10 =	sld [smem:$0x3FA8];
	_ =	sdelay $0x3  }
0x37: {  	[smem:$0x3FA8] =	sst s10  }
0x38: {  	s10 =	sld [smem:$0x3FA9]  }
0x39: {  	_ = 	snop;
	(pc) =	sbr.ind lr, $3  }
0x3a: {  	_ = 	snop  }
0x3b: {  	_ = 	snop  }
0x3c: {  	p2 =	seq.s32 s10, $0x1;
	s10 =	sld [smem:$0x3FA8]  }
0x3d: {  	_ =	shalt  }
0x3e: {  	_ =	shalt  }
0x3f: {  	_ =	shalt  }
0x40: {  	_ =	shalt  }
0x41: {  	_ =	shalt  }
0x42: {  	_ =	shalt  }
0x43: {  	_ =	shalt  }
0x44: {  	_ =	shalt  }
0x45: {  	_ =	shalt  }
0x46: {  	_ =	shalt  }
0x47: {  	_ =	shalt  }
0x48: {  	_ =	shalt  }
0x49: {  	_ =	shalt  }
0x4a: {  	_ =	shalt  }
0x4b: {  	_ =	shalt  }
0x4c: {  	_ =	shalt  }
0x4d: {  	_ =	shalt  }
0x4e: {  	_ =	shalt  }
0x4f: {  	_ =	shalt  }
0x50: {  	_ =	shalt  }
0x51: {  	_ =	shalt  }
0x52: {  	_ =	shalt  }
0x53: {  	_ =	shalt  }
0x54: {  	_ =	shalt  }
0x55: {  	_ =	shalt  }
0x56: {  	_ =	shalt  }
0x57: {  	_ =	shalt  }
0x58: {  	_ =	shalt  }
0x59: {  	_ =	shalt  }
0x5a: {  	_ =	shalt  }
0x5b: {  	_ =	shalt  }
0x5c: {  	_ =	shalt  }
0x5d: {  	_ =	shalt  }
0x5e: {  	_ =	shalt  }
0x5f: {  	_ =	shalt  }
0x60: {  	_ =	shalt  }
0x61: {  	_ =	shalt  }
0x62: {  	_ =	shalt  }
0x63: {  	_ =	shalt  }
0x64: {  	_ =	shalt  }
0x65: {  	_ =	shalt  }
0x66: {  	_ =	shalt  }
0x67: {  	_ =	shalt  }
0x68: {  	_ =	shalt  }
0x69: {  	_ =	shalt  }
0x6a: {  	_ =	shalt  }
0x6b: {  	_ =	shalt  }
0x6c: {  	_ =	shalt  }
0x6d: {  	_ =	shalt  }
0x6e: {  	_ =	shalt  }
0x6f: {  	_ =	shalt  }
0x70: {  	_ =	shalt  }
0x71: {  	_ =	shalt  }
0x72: {  	_ =	shalt  }
0x73: {  	_ =	shalt  }
0x74: {  	_ =	shalt  }
0x75: {  	_ =	shalt  }
0x76: {  	_ =	shalt  }
0x77: {  	_ =	shalt  }
0x78: {  	_ =	shalt  }
0x79: {  	_ =	shalt  }
0x7a: {  	_ =	shalt  }
0x7b: {  	_ =	shalt  }
0x7c: {  	_ =	shalt  }
0x7d: {  	_ =	shalt  }
0x7e: {  	_ =	shalt  }
0x7f: {  	_ =	shalt  }
0x80: {  	_ =	shalt  }
0x81: {  	_ =	shalt  }
0x82: {  	_ =	shalt  }
0x83: {  	_ =	shalt  }
0x84: {  	_ =	shalt  }
0x85: {  	_ =	shalt  }
0x86: {  	_ =	shalt  }
0x87: {  	_ =	shalt  }
.Lfunc_end0:
.L_simem_size_0:
called_computation_lowered:
.L_overlay_start_0:
0x88: {  	s2 =	sld [smem:$0x3FD9]  }
0x89: {  	s3 =	sld [smem:$0x3FFE];
	_ =	sdelay $0x1  }
0x8a: {  	s1 =	srdreg.scid  }
0x8b: {  	s0 =	sand.u32 $0x1, s1  }
0x8c: {  	s17 =	sshll.u32 s0, $0xA;
	s2 =	sadd.s32 s3, s2  }
0x8d: {  	s2 =	sadd.s32 s2, s17  }
0x8e: {  	[smem:$0x3FB4] =	sst s2  }
0x8f: {  	_ = 	snop  }
0x90: {  	s2 =	sld [smem:$0x3FD0];
	(tm) =	ssettm $0x1  }
0x91: {  	s18 =	sld [smem:$0x3FFB];
	_ =	sdelay $0x3  }
0x92: {  	_ =	strace s18  }
0x93: {  	s3 =	sld [smem:$0x3FFC];
	_ =	sdelay $0x3  }
0x94: {  	_ =	strace s3  }
0x95: {  	s3 =	sld [smem:$0x3FFD];
	_ =	sdelay $0x3  }
0x96: {  	_ =	strace s3  }
0x97: {  	_ =	strace $0x8FFFFFFF  }
0x98: {  	s19 =	sld [smem:$0x3FDB];
	_ =	sdelay $0x1  }
0x99: {  	s4 =	simm.s32 $_scs_section_size  }
0x9a: {  	s5 =	simm.s32 $_size__tile_overlayer_lowered;
	s6 =	simm.s32 $_tile_overlayer_lowered  }
0x9b: {  	s22 =	simm.s32 $0x1BFF;
	s21 =	sshll.u32 s6, $0x1;
	s3 =	sadd.s32 s4, s19  }
0x9c: {  	s7 =	simm.s32 $0x0;
	s20 =	sshll.u32 s5, $0x1;
	s5 =	sadd.s32 s21, s3  }
0x9d: {  	[timem:s7], [sflag:s22] =	dma.local [hbm:s5], s20  }
0x9e: {  	_ =	swait.ge [sflag:s22], s20  }
0x9f: {  	s4 =	ssub.s32 $0x0, s20;
	[sflag:s22] =	ssyncset.done $0x0  }
0xa0: {  	[sflag:s22] =	ssyncadd.s32 s4;
	_ =	sdelay $0x1  }
0xa1: {  	s23 =	simm.s32 $0x1B8B  }
0xa2: {  	_ =	swait.ge [sflag:s23], $0x1  }
0xa3: {  	[sflag:s23] =	ssyncset.done $0x0  }
0xa4: {  	s25 =	simm.s32 $0x1B8E;
	s24 =	sld [smem:$0x3FFE];
	[sflag:s23] =	ssyncadd.s32 $0xFFFFFFFF  }
0xa5: {  	s26 =	simm.s32 $execute0_lowered;
	[smem:$0x3FD2] =	sst s25  }
0xa6: {  	s5 =	sshll.u32 s26, $0x1;
	_ =	strace $0x80000046;
	[dreg:$0x1] =	wrdreg $0xFFFFFFFF  }
0xa7: {  	s28 =	simm.s32 $_size_execute0_lowered;
	s3 =	sadd.s32 s3, s5;
	[dreg:$0x0] =	wrdreg $0x0  }
0xa8: {  	s5 =	sshll.u32 s28, $0x1;
	[dreg:$0x2] =	wrdreg s3  }
0xa9: {  	[dreg:$0x3] =	wrdreg s5  }
0xaa: {  	[dreg:$0x4] =	wrdreg $0xC0  }
0xab: {  	_ =	task [dreg:s7], $0x5FFFF  }
0xac: {  	[dreg:$0x1] =	wrdreg $0xFFFFFFFF  }
0xad: {  	[dreg:$0x0] =	wrdreg $0x60  }
0xae: {  	[dreg:$0x2] =	wrdreg s24  }
0xaf: {  	[dreg:$0x3] =	wrdreg s2  }
0xb0: {  	[dreg:$0x4] =	wrdreg $0x9  }
0xb1: {  	_ =	task.clear_ibuf [dreg:s7], $0x5FFFF;
	_ =	strace $0x90000046  }
0xb2: {  	s29 =	simm.s32 $0x9;
	_ =	strace $0x80000048  }
0xb3: {  	_ =	swait.ge [sflag:s29], $0x1  }
0xb4: {  	[sflag:s29] =	ssyncadd.s32 $0xFFFFFFFF  }
0xb5: {  	_ =	strace $0x90000048  }
0xb6: {  	_ =	sfence  }
0xb7: {  	s30 =	sld [smem:$0x0];
	_ =	sdelay $0x2  }
0xb8: {  	s31 =	sshll.u32 s1, $0xD;
	s1 =	sshrl.u32 s1, $0x2  }
0xb9: {  	s3 =	sand.u32 $0x4000, s31;
	s1 =	sadd.s32 s1, s30  }
0xba: {  	s0 =	sor.u32 s3, s0;
	s1 =	sshll.u32 s1, $0x11  }
0xbb: {  	s0 =	sor.u32 s1, s0  }
0xbc: {  	s0 =	sadd.s32 $0x8F2B, s0  }
0xbd: {  	[sflag:s0] =	ssyncadd.remote.s32 $0x1  }
0xbe: {  	_ =	sfence.sel $0xFFFF  }
0xbf: {  	[dreg:$0x0] =	wrdreg $0xFFFFFFFF;
	(pc) =	sbr.abs _section_cstart, $3  }
0xc0: {  	[dreg:$0x1] =	wrdreg $0xFFFFFFFF  }
0xc1: {  	_ =	task.clear_ibuf [dreg:s7], $0x2FFFF;
	_ =	strace $0x9FFFFFFF  }
0xc2: {  	(tm) =	ssettm $0x7FFFFFFF  }
0xc3: {  	_ =	shalt  }
tec
execute0_lowered:
.L_overlay_start_1:
0x0: {  	(tag) =	ssettag $0x1  }
0x1: {  	s1 =	srdreg.scid  }
0x2: {  	s0 =	stileid.u32;
	s5 =	rddreg [dreg:$0x0]  }
0x3: {  	s2 =	rddreg [dreg:$0x1];
	s3 =	simm.s32 $0x0;
	s13 =	simm.s32 $0x1  }
0x4: {  	s14 =	simm.s32 $0x0;
	s6 =	sand.u32 $0x1, s1;
	s7 =	smul.u32 $0x8800, s0  }
0x5: {  	s30 =	sshll.u32 s0, $0x1;
	s1 =	rddreg [dreg:$0x2];
	s8 =	smul.u32 $0x11000, s0  }
0x6: {  	[smem:$0x7FF] =	sst s3;
	s4 =	sor.u32 s6, s30;
	s11 =	smul.u32 $0x8800, s6  }
0x7: {  	_ =	strace $0x80000047;
	s10 =	ssub.s32 $0x2, s6;
	s6 =	smul.u32 $0x4400, s6  }
0x8: {  	s4 =	smul.u32 $0x2200, s4;
	s12 =	sshrl.u32 s10, $0x1;
	s8 =	sadd.s32 s8, s5  }
0x9: {  	s7 =	sadd.s32 s7, s5;
	s10 =	ssub.s32 s10, s12;
	s8 =	sadd.s32 s11, s8  }
0xa: {  	s31 =	sadd.s32 s6, s7;
	s11 =	simm.s32 $0x2200;
	s12 =	simm.s32 $0x2A00  }
0xb: {  	s4 =	sshrl.u32 s4, $0x3;
	s6 =	smax.u32 s10, $0x1;
	s7 =	sadd.s32 $0x189E00, s8  }
0xc: {  	s8 =	sadd.s32 $0x101E00, s31;
	s10 =	simm.s32 $0x80;
	s9 =	sadd.s32 s4, s5  }
0xd: {  	s4 =	sadd.s32 $0x1E00, s5;
	s5 =	sadd.s32 $0x41E00, s9;
	s9 =	simm.s32 $0x2  }
.LBB2_1:
0xe: {  	[tilespmem:s3], [sflag:$0x2] =	stream.linear.gather [hbm4b:s5+s3], $0x2200, $0x38;
	[tilespmem:$0x3A00] =	vst v63  }
0xf: {  	_ =	swait.ge [sflag:s9], $0x2200  }
0x10: {  	[sflag:s9] =	ssyncset.done $0x0  }
0x11: {  	s15 =	simm.s32 $0x0;
	[sflag:s9] =	ssyncadd.s32 $0xFFFFDE00  }
0x12: {  	[tilespmem:s11], [sflag:$0x1] =	stream.indirect.gather [hbm4b:s4+s10], $0x10, s15, s10, $0xb8;
	[tilespmem:$0x3A00] =	vst v63  }
0x13: {  	_ = 	snop  }
0x14: {  	[tilespmem:s12], [sflag:$0x1] =	stream.indirect.gather [hbm4b:s2+s10], $0x20, s15, s10, $0xb8;
	[tilespmem:$0x3A00] =	vst v63  }
0x15: {  	_ =	swait.ge [sflag:s13], $0x800  }
0x16: {  	[sflag:s13] =	ssyncset.done $0x0  }
0x17: {  	[sflag:s13] =	ssyncadd.s32 $0xFFFFF800  }
0x18: {  	_ =	swait.ge [sflag:s13], $0x1000  }
0x19: {  	[sflag:s13] =	ssyncset.done $0x0  }
0x1a: {  	[sflag:s13] =	ssyncadd.s32 $0xFFFFF000  }
0x1b: {  	[hbm4b:s8+s3] =	stream.linear.scatter [tilespmem:s11], [sflag:$0x2], $0x800, $0x38;
	[tilespmem:$0x3A00] =	vst v63  }
0x1c: {  	_ =	swait.ge [sflag:s9], $0x800  }
0x1d: {  	[sflag:s9] =	ssyncset.done $0x0  }
0x1e: {  	s31 =	sadd.s32 $0x0, s7;
	[sflag:s9] =	ssyncadd.s32 $0xFFFFF800  }
0x1f: {  	[hbm4b:s31+s3] =	stream.linear.scatter [tilespmem:s12], [sflag:$0x2], $0x1000, $0x38;
	[tilespmem:$0x3A00] =	vst v63  }
0x20: {  	s17 =	simm.s32 $0x400;
	_ =	swait.ge [sflag:s9], $0x1000  }
0x21: {  	s16 =	sadd.s32 $0x100, s8;
	s15 =	simm.s32 $0x200;
	[sflag:s9] =	ssyncset.done $0x0  }
.LBB2_2:
0x22: {  	s18 =	sshra.s32 s15, $0x2  }
0x23: {  	[sflag:s9] =	ssyncadd.s32 $0xFFFFF000;
	s19 =	smov.u32 s17;
	s20 =	sadd.s32 $0x200, s17  }
0x24: {  	[tilespmem:s11], [sflag:$0x1] =	stream.indirect.gather [hbm4b:s4+s10], $0x10, s18, s10, $0xb8;
	[tilespmem:$0x3A00] =	vst v63  }
0x25: {  	p0 =	sne.s32 s17, $0x8600  }
0x26: {  	[tilespmem:s12], [sflag:$0x1] =	stream.indirect.gather [hbm4b:s2+s10], $0x20, s18, s10, $0xb8;
	[tilespmem:$0x3A00] =	vst v63  }
0x27: {  	_ =	swait.ge [sflag:s13], $0x800  }
0x28: {  	[sflag:s13] =	ssyncset.done $0x0  }
0x29: {  	[sflag:s13] =	ssyncadd.s32 $0xFFFFF800  }
0x2a: {  	_ =	swait.ge [sflag:s13], $0x1000  }
0x2b: {  	[sflag:s13] =	ssyncset.done $0x0  }
0x2c: {  	[sflag:s13] =	ssyncadd.s32 $0xFFFFF000  }
0x2d: {  	[hbm4b:s16+s3] =	stream.linear.scatter [tilespmem:s11], [sflag:$0x2], $0x800, $0x38;
	[tilespmem:$0x3A00] =	vst v63  }
0x2e: {  	_ =	swait.ge [sflag:s9], $0x800  }
.Ltmp0:
0x2f: {  	[sflag:s9] =	ssyncset.done $0x0;
	(pc) =	sbr.rel @p0 .LBB2_2-.Ltmp0, $4  }
0x30: {  	s17 =	sadd.s32 s15, s7;
	s15 =	smov.u32 s19;
	[sflag:s9] =	ssyncadd.s32 $0xFFFFF800  }
0x31: {  	[hbm4b:s17+s3] =	stream.linear.scatter [tilespmem:s12], [sflag:$0x2], $0x1000, $0x38;
	[tilespmem:$0x3A00] =	vst v63  }
0x32: {  	_ =	swait.ge [sflag:s9], $0x1000  }
0x33: {  	s16 =	sadd.s32 $0x100, s16;
	s17 =	smov.u32 s20;
	[sflag:s9] =	ssyncset.done $0x0  }
0x34: {  	s17 =	sshra.s32 s15, $0x2;
	[sflag:s9] =	ssyncadd.s32 $0xFFFFF000  }
0x35: {  	[tilespmem:s11], [sflag:$0x1] =	stream.indirect.gather [hbm4b:s4+s10], $0x10, s17, s10, $0xb8;
	[tilespmem:$0x3A00] =	vst v63  }
0x36: {  	_ = 	snop  }
0x37: {  	[tilespmem:s12], [sflag:$0x1] =	stream.indirect.gather [hbm4b:s2+s10], $0x20, s17, s10, $0xb8;
	[tilespmem:$0x3A00] =	vst v63  }
0x38: {  	_ =	swait.ge [sflag:s13], $0x800  }
0x39: {  	[sflag:s13] =	ssyncset.done $0x0  }
0x3a: {  	[sflag:s13] =	ssyncadd.s32 $0xFFFFF800  }
0x3b: {  	_ =	swait.ge [sflag:s13], $0x1000  }
0x3c: {  	[sflag:s13] =	ssyncset.done $0x0  }
0x3d: {  	[sflag:s13] =	ssyncadd.s32 $0xFFFFF000  }
0x3e: {  	[hbm4b:s16+s3] =	stream.linear.scatter [tilespmem:s11], [sflag:$0x2], $0x800, $0x38;
	[tilespmem:$0x3A00] =	vst v63  }
0x3f: {  	s14 =	sadd.s32 $0x1, s14;
	_ =	swait.ge [sflag:s9], $0x800  }
0x40: {  	p0 =	sne.s32 s14, s6;
	[sflag:s9] =	ssyncset.done $0x0  }
.Ltmp1:
0x41: {  	s31 =	sadd.s32 s15, s7;
	[sflag:s9] =	ssyncadd.s32 $0xFFFFF800;
	(pc) =	sbr.rel @p0 .LBB2_1-.Ltmp1, $4  }
0x42: {  	[hbm4b:s31+s3] =	stream.linear.scatter [tilespmem:s12], [sflag:$0x2], $0x1000, $0x38;
	[tilespmem:$0x3A00] =	vst v63  }
0x43: {  	_ =	swait.ge [sflag:s9], $0x1000  }
0x44: {  	[sflag:s9] =	ssyncset.done $0x0  }
0x45: {  	[sflag:s9] =	ssyncadd.s32 $0xFFFFF000  }
0x46: {  	_ =	sfence.sel $0x180000  }
0x47: {  	[bflag:$0x0] =	sbarrier.arrive $0xFFFF  }
0x48: {  	p0 =	sne.s32 s0, $0x0;
	_ =	strace $0x90000047  }
0x49: {  	s0 =	sadd.s32 @!p0 $0x100000, s1;
	[bflag:$0x2] =	sbarrier.arrive $0xFFFF  }
0x4a: {  	[sflag:s0] =	ssyncadd.tile.s32 @!p0 $0x1;
	_ =	shalt  }
.Lfunc_end2:
_tile_overlayer_lowered:
.L_overlay_start_2:
0x4b: {  	(tag) =	ssettag $0x2  }
0x4c: {  	s0 =	rddreg [dreg:$0x0];
	s2 =	stileid.u32  }
0x4d: {  	s1 =	rddreg [dreg:$0x1];
	p0 =	sne.s32 s2, $0x0  }
0x4e: {  	s3 =	rddreg [dreg:$0x2];
	[bflag:$0x3] =	sbarrier.arrive $0xFFFF;
	s2 =	simm.s32 @!p0 $0x1C02  }
0x4f: {  	[timem:s3], [sflag:s2] =	dma.local @!p0 [hbm:s0], s1  }
0x50: {  	s0 =	simm.s32 @!p0 $0x2  }
0x51: {  	_ =	swait.ge @!p0 [sflag:s0], s1  }
0x52: {  	s1 =	ssub.s32 @!p0 $0x0, s1;
	[sflag:s0] =	ssyncset.done @!p0 $0x0  }
0x53: {  	[sflag:s0] =	ssyncadd.s32 @!p0 s1  }
0x54: {  	[bflag:$0x3] =	sbarrier.arrive $0xFFFF  }
0x55: {  	_ =	shalt  }

</sc_bundles>
